<compile_context>
chip_gen: v7x
topology: tpu7x:2x2x1
jax: 0.10.2.dev20260603
libtpu: 0.0.44.dev20260713+nightly
codegen_flags: <defaults>
</compile_context>

<pallas_src>
import functools

import jax
import jax.numpy as jnp
from jax import lax
from jax.experimental import pallas as pl
from jax.experimental.pallas import tpu as pltpu
from jax.experimental.pallas import tpu_sc as plsc

N_NODES = 10000
N_EDGES = 320000
D_FEAT = 128

NC = 2
NS = 16
LANES = 128
NW = NC * NS
EROWS = N_EDGES // LANES
WROWS = EROWS // NW
XTRA = EROWS - WROWS * NW
WEDGE = (WROWS + 1) * LANES
NR = 625
ACC = 10240
ZCHUNK = ACC // NS
GTAIL = N_NODES - (NS - 1) * ZCHUNK

_SC_PARAMS = pltpu.CompilerParams(
    use_tc_tiling_on_sc=False, needs_layout_passes=False)


def _ids():
    cid = lax.axis_index("c")
    sid = lax.axis_index("s")
    return cid, sid, sid * NC + cid


def _row0(wid):
    return jnp.where(wid < XTRA, (WROWS + 1) * wid, WROWS * wid + XTRA)


def _zero_init(zbuf, acc_sh, sid):
    def zfill(t, carry):
        zbuf[pl.ds(t * 16, 16)] = jnp.zeros((16,), jnp.float32)
        return carry

    lax.fori_loop(0, ZCHUNK // 16, zfill, 0)
    pltpu.sync_copy(zbuf, acc_sh.at[pl.ds(sid * ZCHUNK, ZCHUNK)])


def _stage_edges_xtra(edges_hbm, comp, buf, row0):
    pltpu.sync_copy(edges_hbm.at[comp, pl.ds((row0 + WROWS) * LANES, LANES)],
                    buf.at[pl.ds(WROWS * LANES, LANES)])


def _rsqrt_nr(d):
    i = plsc.bitcast(d, jnp.int32)
    i = jnp.int32(0x5F3759DF) - lax.shift_right_arithmetic(i, 1)
    y = plsc.bitcast(i, jnp.float32)
    for _ in range(3):
        y = y * (1.5 - 0.5 * d * y * y)
    return y


@functools.partial(
    pl.kernel,
    out_type=jax.ShapeDtypeStruct((NC, N_NODES), jnp.float32),
    mesh=plsc.VectorSubcoreMesh(core_axis_name="c", subcore_axis_name="s"),
    compiler_params=_SC_PARAMS,
    scratch_types=[
        pltpu.VMEM((WEDGE,), jnp.int32),
        pltpu.VMEM((LANES,), jnp.float32),
        pltpu.VMEM((ZCHUNK,), jnp.float32),
        pltpu.VMEM_SHARED((ACC,), jnp.float32),
        pltpu.SemaphoreType.DMA,
        pltpu.SemaphoreType.DMA,
    ],
)
def _hist_kernel(edges_hbm, out_hbm, dst_v, ones_v, zbuf, acc_sh, sem, ssem):
    cid, sid, wid = _ids()
    row0 = _row0(wid)

    c_dst = pltpu.async_copy(
        edges_hbm.at[1, pl.ds(row0 * LANES, WROWS * LANES)],
        dst_v.at[pl.ds(0, WROWS * LANES)], ssem)

    @pl.when(wid < XTRA)
    def _():
        _stage_edges_xtra(edges_hbm, 1, dst_v, row0)

    for t in range(LANES // 16):
        ones_v[pl.ds(t * 16, 16)] = jnp.ones((16,), jnp.float32)

    _zero_init(zbuf, acc_sh, sid)
    c_dst.wait()
    plsc.subcore_barrier()

    def issue(j, carry):
        pltpu.async_copy(ones_v, acc_sh.at[dst_v.at[pl.ds(j * LANES, LANES)]],
                         sem, add=True)
        return carry

    lax.fori_loop(0, WROWS, issue, 0)

    @pl.when(wid < XTRA)
    def _():
        issue(WROWS, 0)

    def drain(j, carry):
        pltpu.make_async_copy(ones_v, acc_sh.at[dst_v.at[pl.ds(0, LANES)]],
                              sem).wait()
        return carry

    lax.fori_loop(0, WROWS, drain, 0)

    @pl.when(wid < XTRA)
    def _():
        drain(0, 0)

    plsc.subcore_barrier()

    @pl.when(sid == 0)
    def _():
        pltpu.sync_copy(acc_sh.at[pl.ds(0, N_NODES)], out_hbm.at[cid])


@functools.partial(
    pl.kernel,
    out_type=jax.ShapeDtypeStruct((NC, N_NODES), jnp.float32),
    mesh=plsc.VectorSubcoreMesh(core_axis_name="c", subcore_axis_name="s"),
    compiler_params=_SC_PARAMS,
    scratch_types=[
        pltpu.VMEM((ACC,), jnp.float32),
        pltpu.VMEM((WEDGE,), jnp.int32),
        pltpu.VMEM((WEDGE,), jnp.int32),
        pltpu.VMEM((WEDGE,), jnp.float32),
        pltpu.VMEM((ZCHUNK,), jnp.float32),
        pltpu.VMEM((ZCHUNK,), jnp.float32),
        pltpu.VMEM((ZCHUNK,), jnp.float32),
        pltpu.VMEM((ZCHUNK,), jnp.float32),
        pltpu.VMEM_SHARED((ACC,), jnp.float32),
        pltpu.VMEM_SHARED((ACC,), jnp.float32),
        pltpu.SemaphoreType.DMA,
        pltpu.SemaphoreType.DMA,
    ],
)
def _msg_kernel(edges_hbm, deg2_hbm, h_hbm, out_hbm,
                g_v, src_v, dst_v, vals_v, d0_v, d1_v, zbuf, dis_v,
                acc_sh, g_sh, sem, gsem):
    cid, sid, wid = _ids()
    row0 = _row0(wid)

    c_src = pltpu.async_copy(
        edges_hbm.at[0, pl.ds(row0 * LANES, WROWS * LANES)],
        src_v.at[pl.ds(0, WROWS * LANES)], gsem)
    c_dst = pltpu.async_copy(
        edges_hbm.at[1, pl.ds(row0 * LANES, WROWS * LANES)],
        dst_v.at[pl.ds(0, WROWS * LANES)], gsem)

    @pl.when(wid < XTRA)
    def _():
        _stage_edges_xtra(edges_hbm, 0, src_v, row0)
        _stage_edges_xtra(edges_hbm, 1, dst_v, row0)

    node0 = sid * ZCHUNK

    @pl.when(sid < NS - 1)
    def _():
        pltpu.sync_copy(deg2_hbm.at[0, pl.ds(node0, ZCHUNK)], d0_v)
        pltpu.sync_copy(deg2_hbm.at[1, pl.ds(node0, ZCHUNK)], d1_v)
        pltpu.sync_copy(h_hbm.at[pl.ds(node0, ZCHUNK)], zbuf)

    @pl.when(sid == NS - 1)
    def _():
        pltpu.sync_copy(deg2_hbm.at[0, pl.ds(node0, GTAIL)],
                        d0_v.at[pl.ds(0, GTAIL)])
        pltpu.sync_copy(deg2_hbm.at[1, pl.ds(node0, GTAIL)],
                        d1_v.at[pl.ds(0, GTAIL)])
        pltpu.sync_copy(h_hbm.at[pl.ds(node0, GTAIL)],
                        zbuf.at[pl.ds(0, GTAIL)])

    def gfill(t, carry):
        sl = pl.ds(t * 16, 16)
        deg = d0_v[sl] + d1_v[sl] + 1.0
        r = _rsqrt_nr(deg)
        dis_v[sl] = r
        d0_v[sl] = r * zbuf[sl]
        return carry

    lax.fori_loop(0, ZCHUNK // 16, gfill, 0)

    @pl.when(sid < NS - 1)
    def _():
        pltpu.sync_copy(d0_v, g_sh.at[pl.ds(node0, ZCHUNK)])

    @pl.when(sid == NS - 1)
    def _():
        pltpu.sync_copy(d0_v.at[pl.ds(0, GTAIL)],
                        g_sh.at[pl.ds(node0, GTAIL)])

    _zero_init(zbuf, acc_sh, sid)
    plsc.subcore_barrier()
    pltpu.sync_copy(g_sh.at[pl.ds(0, N_NODES)], g_v.at[pl.ds(0, N_NODES)])
    c_src.wait()
    c_dst.wait()

    def row_fn(j, carry):
        base = j * LANES
        for t in range(LANES // 16):
            idx = src_v[pl.ds(base + t * 16, 16)]
            vals_v[pl.ds(base + t * 16, 16)] = plsc.load_gather(g_v, [idx])
        pltpu.async_copy(vals_v.at[pl.ds(base, LANES)],
                         acc_sh.at[dst_v.at[pl.ds(base, LANES)]],
                         sem, add=True)
        return carry

    lax.fori_loop(0, WROWS, row_fn, 0)

    @pl.when(wid < XTRA)
    def _():
        row_fn(WROWS, 0)

    def drain(j, carry):
        pltpu.make_async_copy(vals_v.at[pl.ds(0, LANES)],
                              acc_sh.at[dst_v.at[pl.ds(0, LANES)]],
                              sem).wait()
        return carry

    lax.fori_loop(0, WROWS, drain, 0)

    @pl.when(wid < XTRA)
    def _():
        drain(0, 0)

    plsc.subcore_barrier()

    @pl.when(sid < NS - 1)
    def _():
        pltpu.sync_copy(acc_sh.at[pl.ds(node0, ZCHUNK)], d1_v)

    @pl.when(sid == NS - 1)
    def _():
        pltpu.sync_copy(acc_sh.at[pl.ds(node0, GTAIL)],
                        d1_v.at[pl.ds(0, GTAIL)])

    def ofill(t, carry):
        sl = pl.ds(t * 16, 16)
        d1_v[sl] = dis_v[sl] * (0.5 * d0_v[sl] + d1_v[sl])
        return carry

    lax.fori_loop(0, ZCHUNK // 16, ofill, 0)

    @pl.when(sid < NS - 1)
    def _():
        pltpu.sync_copy(d1_v, out_hbm.at[cid, pl.ds(node0, ZCHUNK)])

    @pl.when(sid == NS - 1)
    def _():
        pltpu.sync_copy(d1_v.at[pl.ds(0, GTAIL)],
                        out_hbm.at[cid, pl.ds(node0, GTAIL)])


def _matvec_body(x3_ref, w_ref, h_ref):
    h_ref[...] = jnp.sum(x3_ref[...] * w_ref[...], axis=2)


_matvec_call = pl.pallas_call(
    _matvec_body,
    out_shape=jax.ShapeDtypeStruct((NR, 16), jnp.float32),
)


def kernel(x, edge_index, W):
    edges = edge_index.astype(jnp.int32)
    x3 = x.reshape(NR, 16, D_FEAT)
    w3 = W.reshape(1, 1, D_FEAT)

    h = _matvec_call(x3, w3)
    deg2 = _hist_kernel(edges)
    out2 = _msg_kernel(edges, deg2, h.reshape(N_NODES))
    return out2[0] + out2[1]

# --- scband reference (transcript-rebuilt; emitter-appended) ---
"""Pipeline reference for scband-simple-gnn-77756087927188 (READ-ONLY COPY).

The authoritative reference and input builder live on the scoring server;
editing this copy changes nothing except your own understanding.
"""

import jax, jax.numpy as jnp
import numpy as np

N_NODES = 10000
N_EDGES = 320000
D_FEAT = 128

def setup_inputs(seed: int = 0) -> dict:
    key = jax.random.key(seed)
    k1, k2, k3 = jax.random.split(key, 3)
    x = jax.random.normal(k1, (N_NODES, D_FEAT), dtype=jnp.float32)
    edge_index = jax.random.randint(k2, (2, N_EDGES), 0, N_NODES, dtype=jnp.int64)
    # GCNConv linear weight: glorot init, shape [in_channels, out_channels], out_channels=1, bias=False
    W = jax.random.normal(k3, (D_FEAT, 1), dtype=jnp.float32) * (1.0 / np.sqrt(D_FEAT))
    return {"x": x, "edge_index": edge_index, "W": W}

def reference(x, edge_index, W):
    # Faithful GCNConv (torch_geometric) with add_self_loops=True, normalize=True, bias=False
    N = x.shape[0]
    src = edge_index[0]
    dst = edge_index[1]
    loop = jnp.arange(N, dtype=edge_index.dtype)
    src = jnp.concatenate([src, loop])
    dst = jnp.concatenate([dst, loop])
    # symmetric normalization: deg computed on target (col) nodes with unit edge weights
    ones_e = jnp.ones(src.shape[0], dtype=x.dtype)
    deg = jnp.zeros((N,), dtype=x.dtype).at[dst].add(ones_e)
    deg_inv_sqrt = jnp.where(deg > 0, deg ** -0.5, 0.0)
    norm = deg_inv_sqrt[src] * deg_inv_sqrt[dst]
    # linear transform then propagate (message = norm * x_j, aggregate = scatter-add at dst)
    h = x @ W  # [N, 1]
    msgs = norm[:, None] * jnp.take(h, src, axis=0)
    out = jnp.zeros((N, 1), dtype=x.dtype).at[dst].add(msgs)
    return out.squeeze(-1)

if __name__ == "__main__":
    import jax
    _d = setup_inputs()
    print(jax.jit(kernel)(*tuple(_d.values())))

</pallas_src>

<mosaic_0001>
#map = affine_map<(d0, d1) -> (0, 0)>
module attributes {stable_mosaic.version = 14 : i64} {
  func.func @_hist_kernel(%arg0: i32, %arg1: i32, %arg2: memref<2x320000xi32, #tpu.memory_space<hbm>>, %arg3: memref<2x10000xf32, #tpu.memory_space<hbm>>, %arg4: memref<10112xi32, #tpu.memory_space<vmem>>, %arg5: memref<128xf32, #tpu.memory_space<vmem>>, %arg6: memref<640xf32, #tpu.memory_space<vmem>>, %arg7: memref<10240xf32, #tpu.memory_space<vmem_shared>>, %arg8: memref<!tpu.dma_semaphore, #tpu.memory_space<semaphore_mem>>, %arg9: memref<!tpu.dma_semaphore, #tpu.memory_space<semaphore_mem>>) attributes {dimension_semantics = [#tpu.dimension_semantics<core_parallel>, #tpu.dimension_semantics<subcore_parallel>], iteration_bounds = array<i64: 2, 16>, scalar_prefetch = 0 : i64, scratch_operands = 6 : i64, tpu.core_type = #tpu.core_type<sc_vector_subcore>, window_params = [{transform_indices = #map}, {transform_indices = #map}]} {
    %mul3A = arith.constant 2 : i32
    %mul3A_0 = arith.muli %arg1, %mul3A : i32
    %add3A = arith.addi %mul3A_0, %arg0 : i32
    %lt3A = arith.constant 4 : i32
    %lt3A_1 = arith.cmpi slt, %add3A, %lt3A : i32
    %mul3A_2 = arith.constant 79 : i32
    %mul3A_3 = arith.muli %mul3A_2, %add3A : i32
    %mul3A_4 = arith.constant 78 : i32
    %mul3A_5 = arith.muli %mul3A_4, %add3A : i32
    %add3A_6 = arith.constant 4 : i32
    %add3A_7 = arith.addi %mul3A_5, %add3A_6 : i32
    %select_n3A = arith.select %lt3A_1, %mul3A_3, %add3A_7 : i32
    %mul3A_8 = arith.constant 128 : i32
    %mul3A_9 = arith.muli %select_n3A, %mul3A_8 : i32
    %dma_start3A = arith.constant 1 : i32
    %dma_start3A_10 = arith.constant 0 : i32
    %dma_start3A_11 = tpu.memref_slice %arg4[%dma_start3A_10] : memref<10112xi32, #tpu.memory_space<vmem>> -> memref<9984xi32, #tpu.memory_space<vmem>>
    %dma_start3A_12 = tpu.memref_slice %arg2[%dma_start3A, %mul3A_9] : memref<2x320000xi32, #tpu.memory_space<hbm>> -> memref<1x9984xi32, #tpu.memory_space<hbm>>
    %dma_start3A_13 = tpu.memref_squeeze %dma_start3A_12 : memref<1x9984xi32, #tpu.memory_space<hbm>> -> memref<9984xi32, #tpu.memory_space<hbm>>
    %dma_start3A_14 = arith.constant 0 : i32
    %dma_start3A_15 = tpu.memref_slice %arg4[%dma_start3A_14] : memref<10112xi32, #tpu.memory_space<vmem>> -> memref<9984xi32, #tpu.memory_space<vmem>>
    %dma_start3A_16 = tpu.memref_slice %arg2[%dma_start3A, %mul3A_9] : memref<2x320000xi32, #tpu.memory_space<hbm>> -> memref<1x9984xi32, #tpu.memory_space<hbm>>
    %dma_start3A_17 = tpu.memref_squeeze %dma_start3A_16 : memref<1x9984xi32, #tpu.memory_space<hbm>> -> memref<9984xi32, #tpu.memory_space<hbm>>
    tpu.enqueue_dma source(%dma_start3A_17 : memref<9984xi32, #tpu.memory_space<hbm>>) target(%dma_start3A_15 : memref<9984xi32, #tpu.memory_space<vmem>>) target_semaphore(%arg9 : memref<!tpu.dma_semaphore, #tpu.memory_space<semaphore_mem>>)
    %lt3A_18 = arith.constant 4 : i32
    %lt3A_19 = arith.cmpi slt, %add3A, %lt3A_18 : i32
    %convert_element_type3A = arith.extui %lt3A_19 : i1 to i32
    %cond3A = arith.constant 0 : i32
    %cond3A_20 = arith.cmpi ne, %convert_element_type3A, %cond3A : i32
    scf.if %cond3A_20 {
      %add3A_93 = arith.constant 78 : i32
      %add3A_94 = arith.addi %select_n3A, %add3A_93 : i32
      %mul3A_95 = arith.constant 128 : i32
      %mul3A_96 = arith.muli %add3A_94, %mul3A_95 : i32
      %run_scoped3A = arith.constant 1 : i32
      "tpu.region"() ({
        %run_scoped3A_97 = tpu.sem_alloc : memref<!tpu.dma_semaphore, #tpu.memory_space<semaphore_mem>>
        %dma_start3A_98 = arith.constant 9984 : i32
        %dma_start3A_99 = tpu.memref_slice %arg4[%dma_start3A_98] : memref<10112xi32, #tpu.memory_space<vmem>> -> memref<128xi32, #tpu.memory_space<vmem>>
        %dma_start3A_100 = tpu.memref_slice %arg2[%run_scoped3A, %mul3A_96] : memref<2x320000xi32, #tpu.memory_space<hbm>> -> memref<1x128xi32, #tpu.memory_space<hbm>>
        %dma_start3A_101 = tpu.memref_squeeze %dma_start3A_100 : memref<1x128xi32, #tpu.memory_space<hbm>> -> memref<128xi32, #tpu.memory_space<hbm>>
        %dma_start3A_102 = arith.constant 9984 : i32
        %dma_start3A_103 = tpu.memref_slice %arg4[%dma_start3A_102] : memref<10112xi32, #tpu.memory_space<vmem>> -> memref<128xi32, #tpu.memory_space<vmem>>
        %dma_start3A_104 = tpu.memref_slice %arg2[%run_scoped3A, %mul3A_96] : memref<2x320000xi32, #tpu.memory_space<hbm>> -> memref<1x128xi32, #tpu.memory_space<hbm>>
        %dma_start3A_105 = tpu.memref_squeeze %dma_start3A_104 : memref<1x128xi32, #tpu.memory_space<hbm>> -> memref<128xi32, #tpu.memory_space<hbm>>
        tpu.enqueue_dma source(%dma_start3A_105 : memref<128xi32, #tpu.memory_space<hbm>>) target(%dma_start3A_103 : memref<128xi32, #tpu.memory_space<vmem>>) target_semaphore(%run_scoped3A_97 : memref<!tpu.dma_semaphore, #tpu.memory_space<semaphore_mem>>)
        %dma_wait3A_106 = arith.constant 9984 : i32
        %dma_wait3A_107 = tpu.memref_slice %arg4[%dma_wait3A_106] : memref<10112xi32, #tpu.memory_space<vmem>> -> memref<128xi32, #tpu.memory_space<vmem>>
        %dma_wait3A_108 = tpu.memref_slice %arg2[%run_scoped3A, %mul3A_96] : memref<2x320000xi32, #tpu.memory_space<hbm>> -> memref<1x128xi32, #tpu.memory_space<hbm>>
        %dma_wait3A_109 = tpu.memref_squeeze %dma_wait3A_108 : memref<1x128xi32, #tpu.memory_space<hbm>> -> memref<128xi32, #tpu.memory_space<hbm>>
        %dma_wait3A_110 = arith.constant 9984 : i32
        %dma_wait3A_111 = tpu.memref_slice %arg4[%dma_wait3A_110] : memref<10112xi32, #tpu.memory_space<vmem>> -> memref<128xi32, #tpu.memory_space<vmem>>
        %dma_wait3A_112 = tpu.memref_slice %arg2[%run_scoped3A, %mul3A_96] : memref<2x320000xi32, #tpu.memory_space<hbm>> -> memref<1x128xi32, #tpu.memory_space<hbm>>
        %dma_wait3A_113 = tpu.memref_squeeze %dma_wait3A_112 : memref<1x128xi32, #tpu.memory_space<hbm>> -> memref<128xi32, #tpu.memory_space<hbm>>
        tpu.wait_dma2 semaphore(%run_scoped3A_97 : memref<!tpu.dma_semaphore, #tpu.memory_space<semaphore_mem>>) src(%dma_wait3A_113 : memref<128xi32, #tpu.memory_space<hbm>>) dst(%dma_wait3A_111 : memref<128xi32, #tpu.memory_space<vmem>>)
        tpu.yield
      }) : () -> ()
    } else {
    }
    %broadcast_in_dim3A = arith.constant 1.000000e+00 : f32
    %broadcast_in_dim3A_21 = vector.broadcast %broadcast_in_dim3A : f32 to vector<16xf32>
    %swap3A = arith.constant 0 : index
    %swap3A_22 = tpu.vector_load %arg5[%swap3A] {strides = array<i32>} : memref<128xf32, #tpu.memory_space<vmem>>, vector<16xf32>,
    tpu.vector_store %arg5[%swap3A], %broadcast_in_dim3A_21 {strides = array<i32>} : memref<128xf32, #tpu.memory_space<vmem>>, vector<16xf32>,
    %broadcast_in_dim3A_23 = arith.constant 1.000000e+00 : f32
    %broadcast_in_dim3A_24 = vector.broadcast %broadcast_in_dim3A_23 : f32 to vector<16xf32>
    %swap3A_25 = arith.constant 16 : index
    %swap3A_26 = tpu.vector_load %arg5[%swap3A_25] {strides = array<i32>} : memref<128xf32, #tpu.memory_space<vmem>>, vector<16xf32>,
    tpu.vector_store %arg5[%swap3A_25], %broadcast_in_dim3A_24 {strides = array<i32>} : memref<128xf32, #tpu.memory_space<vmem>>, vector<16xf32>,
    %broadcast_in_dim3A_27 = arith.constant 1.000000e+00 : f32
    %broadcast_in_dim3A_28 = vector.broadcast %broadcast_in_dim3A_27 : f32 to vector<16xf32>
    %swap3A_29 = arith.constant 32 : index
    %swap3A_30 = tpu.vector_load %arg5[%swap3A_29] {strides = array<i32>} : memref<128xf32, #tpu.memory_space<vmem>>, vector<16xf32>,
    tpu.vector_store %arg5[%swap3A_29], %broadcast_in_dim3A_28 {strides = array<i32>} : memref<128xf32, #tpu.memory_space<vmem>>, vector<16xf32>,
    %broadcast_in_dim3A_31 = arith.constant 1.000000e+00 : f32
    %broadcast_in_dim3A_32 = vector.broadcast %broadcast_in_dim3A_31 : f32 to vector<16xf32>
    %swap3A_33 = arith.constant 48 : index
    %swap3A_34 = tpu.vector_load %arg5[%swap3A_33] {strides = array<i32>} : memref<128xf32, #tpu.memory_space<vmem>>, vector<16xf32>,
    tpu.vector_store %arg5[%swap3A_33], %broadcast_in_dim3A_32 {strides = array<i32>} : memref<128xf32, #tpu.memory_space<vmem>>, vector<16xf32>,
    %broadcast_in_dim3A_35 = arith.constant 1.000000e+00 : f32
    %broadcast_in_dim3A_36 = vector.broadcast %broadcast_in_dim3A_35 : f32 to vector<16xf32>
    %swap3A_37 = arith.constant 64 : index
    %swap3A_38 = tpu.vector_load %arg5[%swap3A_37] {strides = array<i32>} : memref<128xf32, #tpu.memory_space<vmem>>, vector<16xf32>,
    tpu.vector_store %arg5[%swap3A_37], %broadcast_in_dim3A_36 {strides = array<i32>} : memref<128xf32, #tpu.memory_space<vmem>>, vector<16xf32>,
    %broadcast_in_dim3A_39 = arith.constant 1.000000e+00 : f32
    %broadcast_in_dim3A_40 = vector.broadcast %broadcast_in_dim3A_39 : f32 to vector<16xf32>
    %swap3A_41 = arith.constant 80 : index
    %swap3A_42 = tpu.vector_load %arg5[%swap3A_41] {strides = array<i32>} : memref<128xf32, #tpu.memory_space<vmem>>, vector<16xf32>,
    tpu.vector_store %arg5[%swap3A_41], %broadcast_in_dim3A_40 {strides = array<i32>} : memref<128xf32, #tpu.memory_space<vmem>>, vector<16xf32>,
    %broadcast_in_dim3A_43 = arith.constant 1.000000e+00 : f32
    %broadcast_in_dim3A_44 = vector.broadcast %broadcast_in_dim3A_43 : f32 to vector<16xf32>
    %swap3A_45 = arith.constant 96 : index
    %swap3A_46 = tpu.vector_load %arg5[%swap3A_45] {strides = array<i32>} : memref<128xf32, #tpu.memory_space<vmem>>, vector<16xf32>,
    tpu.vector_store %arg5[%swap3A_45], %broadcast_in_dim3A_44 {strides = array<i32>} : memref<128xf32, #tpu.memory_space<vmem>>, vector<16xf32>,
    %broadcast_in_dim3A_47 = arith.constant 1.000000e+00 : f32
    %broadcast_in_dim3A_48 = vector.broadcast %broadcast_in_dim3A_47 : f32 to vector<16xf32>
    %swap3A_49 = arith.constant 112 : index
    %swap3A_50 = tpu.vector_load %arg5[%swap3A_49] {strides = array<i32>} : memref<128xf32, #tpu.memory_space<vmem>>, vector<16xf32>,
    tpu.vector_store %arg5[%swap3A_49], %broadcast_in_dim3A_48 {strides = array<i32>} : memref<128xf32, #tpu.memory_space<vmem>>, vector<16xf32>,
    %scan3A = arith.constant 0 : i32
    %scan3A_51 = arith.constant 0 : i32
    %scan3A_52 = arith.constant 40 : i32
    %scan3A_53 = arith.addi %scan3A_51, %scan3A_52 : i32
    %scan3A_54 = arith.constant 1 : i32
    scf.for %scan3A_93 = %scan3A_51 to %scan3A_53 step %scan3A_54  : i32 {
      %broadcast_in_dim3A_94 = arith.constant 0.000000e+00 : f32
      %broadcast_in_dim3A_95 = vector.broadcast %broadcast_in_dim3A_94 : f32 to vector<16xf32>
      %mul3A_96 = arith.constant 16 : i32
      %mul3A_97 = arith.muli %scan3A_93, %mul3A_96 : i32
      %swap3A_98 = arith.index_cast %mul3A_97 : i32 to index
      %swap3A_99 = tpu.vector_load %arg6[%swap3A_98] {strides = array<i32>} : memref<640xf32, #tpu.memory_space<vmem>>, vector<16xf32>,
      tpu.vector_store %arg6[%swap3A_98], %broadcast_in_dim3A_95 {strides = array<i32>} : memref<640xf32, #tpu.memory_space<vmem>>, vector<16xf32>,
    }
    %scan3A_55 = arith.constant 40 : i32
    %mul3A_56 = arith.constant 640 : i32
    %mul3A_57 = arith.muli %arg1, %mul3A_56 : i32
    "tpu.region"() ({
      %run_scoped3A = tpu.sem_alloc : memref<!tpu.dma_semaphore, #tpu.memory_space<semaphore_mem>>
      %dma_start3A_93 = tpu.memref_slice %arg7[%mul3A_57] : memref<10240xf32, #tpu.memory_space<vmem_shared>> -> memref<640xf32, #tpu.memory_space<vmem_shared>>
      %dma_start3A_94 = tpu.memref_slice %arg7[%mul3A_57] : memref<10240xf32, #tpu.memory_space<vmem_shared>> -> memref<640xf32, #tpu.memory_space<vmem_shared>>
      tpu.enqueue_dma source(%arg6 : memref<640xf32, #tpu.memory_space<vmem>>) target(%dma_start3A_94 : memref<640xf32, #tpu.memory_space<vmem_shared>>) target_semaphore(%run_scoped3A : memref<!tpu.dma_semaphore, #tpu.memory_space<semaphore_mem>>)
      %dma_wait3A_95 = tpu.memref_slice %arg7[%mul3A_57] : memref<10240xf32, #tpu.memory_space<vmem_shared>> -> memref<640xf32, #tpu.memory_space<vmem_shared>>
      %dma_wait3A_96 = tpu.memref_slice %arg7[%mul3A_57] : memref<10240xf32, #tpu.memory_space<vmem_shared>> -> memref<640xf32, #tpu.memory_space<vmem_shared>>
      tpu.wait_dma2 semaphore(%run_scoped3A : memref<!tpu.dma_semaphore, #tpu.memory_space<semaphore_mem>>) src(%arg6 : memref<640xf32, #tpu.memory_space<vmem>>) dst(%dma_wait3A_96 : memref<640xf32, #tpu.memory_space<vmem_shared>>)
      tpu.yield
    }) : () -> ()
    %dma_wait3A = arith.constant 1 : i32
    %dma_wait3A_58 = arith.constant 0 : i32
    %dma_wait3A_59 = tpu.memref_slice %arg4[%dma_wait3A_58] : memref<10112xi32, #tpu.memory_space<vmem>> -> memref<9984xi32, #tpu.memory_space<vmem>>
    %dma_wait3A_60 = tpu.memref_slice %arg2[%dma_wait3A, %mul3A_9] : memref<2x320000xi32, #tpu.memory_space<hbm>> -> memref<1x9984xi32, #tpu.memory_space<hbm>>
    %dma_wait3A_61 = tpu.memref_squeeze %dma_wait3A_60 : memref<1x9984xi32, #tpu.memory_space<hbm>> -> memref<9984xi32, #tpu.memory_space<hbm>>
    %dma_wait3A_62 = arith.constant 0 : i32
    %dma_wait3A_63 = tpu.memref_slice %arg4[%dma_wait3A_62] : memref<10112xi32, #tpu.memory_space<vmem>> -> memref<9984xi32, #tpu.memory_space<vmem>>
    %dma_wait3A_64 = tpu.memref_slice %arg2[%dma_wait3A, %mul3A_9] : memref<2x320000xi32, #tpu.memory_space<hbm>> -> memref<1x9984xi32, #tpu.memory_space<hbm>>
    %dma_wait3A_65 = tpu.memref_squeeze %dma_wait3A_64 : memref<1x9984xi32, #tpu.memory_space<hbm>> -> memref<9984xi32, #tpu.memory_space<hbm>>
    tpu.wait_dma2 semaphore(%arg9 : memref<!tpu.dma_semaphore, #tpu.memory_space<semaphore_mem>>) src(%dma_wait3A_65 : memref<9984xi32, #tpu.memory_space<hbm>>) dst(%dma_wait3A_63 : memref<9984xi32, #tpu.memory_space<vmem>>)
    %barrier3A = arith.constant 0 : index
    tpu.barrier barrier_id(%barrier3A)
    %scan3A_66 = arith.constant 0 : i32
    %scan3A_67 = arith.constant 0 : i32
    %scan3A_68 = arith.constant 78 : i32
    %scan3A_69 = arith.addi %scan3A_67, %scan3A_68 : i32
    %scan3A_70 = arith.constant 1 : i32
    scf.for %scan3A_93 = %scan3A_67 to %scan3A_69 step %scan3A_70  : i32 {
      %mul3A_94 = arith.constant 128 : i32
      %mul3A_95 = arith.muli %scan3A_93, %mul3A_94 : i32
      %dma_start3A_96 = tpu.memref_slice %arg4[%mul3A_95] : memref<10112xi32, #tpu.memory_space<vmem>> -> memref<128xi32, #tpu.memory_space<vmem>>
      %dma_start3A_97 = arith.constant 0 : i32
      %dma_start3A_98 = tpu.memref_slice %arg7[%dma_start3A_97] : memref<10240xf32, #tpu.memory_space<vmem_shared>> -> memref<10240xf32, #tpu.memory_space<vmem_shared>>
      tpu.enqueue_indirect_dma source(%arg5 : memref<128xf32, #tpu.memory_space<vmem>>) target(%dma_start3A_98 : memref<10240xf32, #tpu.memory_space<vmem_shared>>) offsets(%dma_start3A_96 : memref<128xi32, #tpu.memory_space<vmem>>) semaphore(%arg8 : memref<!tpu.dma_semaphore, #tpu.memory_space<semaphore_mem>>) {add = true}
    }
    %scan3A_71 = arith.constant 78 : i32
    %lt3A_72 = arith.constant 4 : i32
    %lt3A_73 = arith.cmpi slt, %add3A, %lt3A_72 : i32
    %convert_element_type3A_74 = arith.extui %lt3A_73 : i1 to i32
    %cond3A_75 = arith.constant 0 : i32
    %cond3A_76 = arith.cmpi ne, %convert_element_type3A_74, %cond3A_75 : i32
    scf.if %cond3A_76 {
      %dma_start3A_93 = arith.constant 9984 : i32
      %dma_start3A_94 = tpu.memref_slice %arg4[%dma_start3A_93] : memref<10112xi32, #tpu.memory_space<vmem>> -> memref<128xi32, #tpu.memory_space<vmem>>
      %dma_start3A_95 = arith.constant 0 : i32
      %dma_start3A_96 = tpu.memref_slice %arg7[%dma_start3A_95] : memref<10240xf32, #tpu.memory_space<vmem_shared>> -> memref<10240xf32, #tpu.memory_space<vmem_shared>>
      tpu.enqueue_indirect_dma source(%arg5 : memref<128xf32, #tpu.memory_space<vmem>>) target(%dma_start3A_96 : memref<10240xf32, #tpu.memory_space<vmem_shared>>) offsets(%dma_start3A_94 : memref<128xi32, #tpu.memory_space<vmem>>) semaphore(%arg8 : memref<!tpu.dma_semaphore, #tpu.memory_space<semaphore_mem>>) {add = true}
    } else {
    }
    %scan3A_77 = arith.constant 0 : i32
    %scan3A_78 = arith.constant 0 : i32
    %scan3A_79 = arith.constant 78 : i32
    %scan3A_80 = arith.addi %scan3A_78, %scan3A_79 : i32
    %scan3A_81 = arith.constant 1 : i32
    scf.for %scan3A_93 = %scan3A_78 to %scan3A_80 step %scan3A_81  : i32 {
      %dma_wait3A_94 = arith.constant 0 : i32
      %dma_wait3A_95 = tpu.memref_slice %arg4[%dma_wait3A_94] : memref<10112xi32, #tpu.memory_space<vmem>> -> memref<128xi32, #tpu.memory_space<vmem>>
      %dma_wait3A_96 = arith.constant 0 : i32
      %dma_wait3A_97 = tpu.memref_slice %arg7[%dma_wait3A_96] : memref<10240xf32, #tpu.memory_space<vmem_shared>> -> memref<10240xf32, #tpu.memory_space<vmem_shared>>
      tpu.wait_indirect_dma semaphore(%arg8 : memref<!tpu.dma_semaphore, #tpu.memory_space<semaphore_mem>>) src(%arg5 : memref<128xf32, #tpu.memory_space<vmem>>) dst(%dma_wait3A_97 : memref<10240xf32, #tpu.memory_space<vmem_shared>>)
    }
    %scan3A_82 = arith.constant 78 : i32
    %lt3A_83 = arith.constant 4 : i32
    %lt3A_84 = arith.cmpi slt, %add3A, %lt3A_83 : i32
    %convert_element_type3A_85 = arith.extui %lt3A_84 : i1 to i32
    %cond3A_86 = arith.constant 0 : i32
    %cond3A_87 = arith.cmpi ne, %convert_element_type3A_85, %cond3A_86 : i32
    scf.if %cond3A_87 {
      %dma_wait3A_93 = arith.constant 0 : i32
      %dma_wait3A_94 = tpu.memref_slice %arg4[%dma_wait3A_93] : memref<10112xi32, #tpu.memory_space<vmem>> -> memref<128xi32, #tpu.memory_space<vmem>>
      %dma_wait3A_95 = arith.constant 0 : i32
      %dma_wait3A_96 = tpu.memref_slice %arg7[%dma_wait3A_95] : memref<10240xf32, #tpu.memory_space<vmem_shared>> -> memref<10240xf32, #tpu.memory_space<vmem_shared>>
      tpu.wait_indirect_dma semaphore(%arg8 : memref<!tpu.dma_semaphore, #tpu.memory_space<semaphore_mem>>) src(%arg5 : memref<128xf32, #tpu.memory_space<vmem>>) dst(%dma_wait3A_96 : memref<10240xf32, #tpu.memory_space<vmem_shared>>)
    } else {
    }
    %barrier3A_88 = arith.constant 0 : index
    tpu.barrier barrier_id(%barrier3A_88)
    %eq3A = arith.constant 0 : i32
    %eq3A_89 = arith.cmpi eq, %arg1, %eq3A : i32
    %convert_element_type3A_90 = arith.extui %eq3A_89 : i1 to i32
    %cond3A_91 = arith.constant 0 : i32
    %cond3A_92 = arith.cmpi ne, %convert_element_type3A_90, %cond3A_91 : i32
    scf.if %cond3A_92 {
      "tpu.region"() ({
        %run_scoped3A = tpu.sem_alloc : memref<!tpu.dma_semaphore, #tpu.memory_space<semaphore_mem>>
        %dma_start3A_93 = arith.constant 0 : i32
        %dma_start3A_94 = tpu.memref_slice %arg3[%arg0, %dma_start3A_93] : memref<2x10000xf32, #tpu.memory_space<hbm>> -> memref<1x10000xf32, #tpu.memory_space<hbm>>
        %dma_start3A_95 = tpu.memref_squeeze %dma_start3A_94 : memref<1x10000xf32, #tpu.memory_space<hbm>> -> memref<10000xf32, #tpu.memory_space<hbm>>
        %dma_start3A_96 = arith.constant 0 : i32
        %dma_start3A_97 = tpu.memref_slice %arg7[%dma_start3A_96] : memref<10240xf32, #tpu.memory_space<vmem_shared>> -> memref<10000xf32, #tpu.memory_space<vmem_shared>>
        tpu.enqueue_dma source(%dma_start3A_97 : memref<10000xf32, #tpu.memory_space<vmem_shared>>) target(%dma_start3A_95 : memref<10000xf32, #tpu.memory_space<hbm>>) target_semaphore(%run_scoped3A : memref<!tpu.dma_semaphore, #tpu.memory_space<semaphore_mem>>)
        %dma_wait3A_98 = arith.constant 0 : i32
        %dma_wait3A_99 = tpu.memref_slice %arg3[%arg0, %dma_wait3A_98] : memref<2x10000xf32, #tpu.memory_space<hbm>> -> memref<1x10000xf32, #tpu.memory_space<hbm>>
        %dma_wait3A_100 = tpu.memref_squeeze %dma_wait3A_99 : memref<1x10000xf32, #tpu.memory_space<hbm>> -> memref<10000xf32, #tpu.memory_space<hbm>>
        %dma_wait3A_101 = arith.constant 0 : i32
        %dma_wait3A_102 = tpu.memref_slice %arg7[%dma_wait3A_101] : memref<10240xf32, #tpu.memory_space<vmem_shared>> -> memref<10000xf32, #tpu.memory_space<vmem_shared>>
        tpu.wait_dma2 semaphore(%run_scoped3A : memref<!tpu.dma_semaphore, #tpu.memory_space<semaphore_mem>>) src(%dma_wait3A_102 : memref<10000xf32, #tpu.memory_space<vmem_shared>>) dst(%dma_wait3A_100 : memref<10000xf32, #tpu.memory_space<hbm>>)
        tpu.yield
      }) : () -> ()
    } else {
    }
    return
  }
}

#map = affine_map<(d0, d1) -> (0, 0)>
#map1 = affine_map<(d0, d1) -> (0)>
module attributes {stable_mosaic.version = 14 : i64} {
  func.func @_msg_kernel(%arg0: i32, %arg1: i32, %arg2: memref<2x320000xi32, #tpu.memory_space<hbm>>, %arg3: memref<2x10000xf32, #tpu.memory_space<hbm>>, %arg4: memref<10000xf32, #tpu.memory_space<hbm>>, %arg5: memref<2x10000xf32, #tpu.memory_space<hbm>>, %arg6: memref<10240xf32, #tpu.memory_space<vmem>>, %arg7: memref<10112xi32, #tpu.memory_space<vmem>>, %arg8: memref<10112xi32, #tpu.memory_space<vmem>>, %arg9: memref<10112xf32, #tpu.memory_space<vmem>>, %arg10: memref<640xf32, #tpu.memory_space<vmem>>, %arg11: memref<640xf32, #tpu.memory_space<vmem>>, %arg12: memref<640xf32, #tpu.memory_space<vmem>>, %arg13: memref<640xf32, #tpu.memory_space<vmem>>, %arg14: memref<10240xf32, #tpu.memory_space<vmem_shared>>, %arg15: memref<10240xf32, #tpu.memory_space<vmem_shared>>, %arg16: memref<!tpu.dma_semaphore, #tpu.memory_space<semaphore_mem>>, %arg17: memref<!tpu.dma_semaphore, #tpu.memory_space<semaphore_mem>>) attributes {dimension_semantics = [#tpu.dimension_semantics<core_parallel>, #tpu.dimension_semantics<subcore_parallel>], iteration_bounds = array<i64: 2, 16>, scalar_prefetch = 0 : i64, scratch_operands = 12 : i64, tpu.core_type = #tpu.core_type<sc_vector_subcore>, window_params = [{transform_indices = #map}, {transform_indices = #map}, {transform_indices = #map1}, {transform_indices = #map}]} {
    %mul3A = arith.constant 2 : i32
    %mul3A_0 = arith.muli %arg1, %mul3A : i32
    %add3A = arith.addi %mul3A_0, %arg0 : i32
    %lt3A = arith.constant 4 : i32
    %lt3A_1 = arith.cmpi slt, %add3A, %lt3A : i32
    %mul3A_2 = arith.constant 79 : i32
    %mul3A_3 = arith.muli %mul3A_2, %add3A : i32
    %mul3A_4 = arith.constant 78 : i32
    %mul3A_5 = arith.muli %mul3A_4, %add3A : i32
    %add3A_6 = arith.constant 4 : i32
    %add3A_7 = arith.addi %mul3A_5, %add3A_6 : i32
    %select_n3A = arith.select %lt3A_1, %mul3A_3, %add3A_7 : i32
    %mul3A_8 = arith.constant 128 : i32
    %mul3A_9 = arith.muli %select_n3A, %mul3A_8 : i32
    %dma_start3A = arith.constant 0 : i32
    %dma_start3A_10 = arith.constant 0 : i32
    %dma_start3A_11 = tpu.memref_slice %arg7[%dma_start3A_10] : memref<10112xi32, #tpu.memory_space<vmem>> -> memref<9984xi32, #tpu.memory_space<vmem>>
    %dma_start3A_12 = tpu.memref_slice %arg2[%dma_start3A, %mul3A_9] : memref<2x320000xi32, #tpu.memory_space<hbm>> -> memref<1x9984xi32, #tpu.memory_space<hbm>>
    %dma_start3A_13 = tpu.memref_squeeze %dma_start3A_12 : memref<1x9984xi32, #tpu.memory_space<hbm>> -> memref<9984xi32, #tpu.memory_space<hbm>>
    %dma_start3A_14 = arith.constant 0 : i32
    %dma_start3A_15 = tpu.memref_slice %arg7[%dma_start3A_14] : memref<10112xi32, #tpu.memory_space<vmem>> -> memref<9984xi32, #tpu.memory_space<vmem>>
    %dma_start3A_16 = tpu.memref_slice %arg2[%dma_start3A, %mul3A_9] : memref<2x320000xi32, #tpu.memory_space<hbm>> -> memref<1x9984xi32, #tpu.memory_space<hbm>>
    %dma_start3A_17 = tpu.memref_squeeze %dma_start3A_16 : memref<1x9984xi32, #tpu.memory_space<hbm>> -> memref<9984xi32, #tpu.memory_space<hbm>>
    tpu.enqueue_dma source(%dma_start3A_17 : memref<9984xi32, #tpu.memory_space<hbm>>) target(%dma_start3A_15 : memref<9984xi32, #tpu.memory_space<vmem>>) target_semaphore(%arg17 : memref<!tpu.dma_semaphore, #tpu.memory_space<semaphore_mem>>)
    %mul3A_18 = arith.constant 128 : i32
    %mul3A_19 = arith.muli %select_n3A, %mul3A_18 : i32
    %dma_start3A_20 = arith.constant 1 : i32
    %dma_start3A_21 = arith.constant 0 : i32
    %dma_start3A_22 = tpu.memref_slice %arg8[%dma_start3A_21] : memref<10112xi32, #tpu.memory_space<vmem>> -> memref<9984xi32, #tpu.memory_space<vmem>>
    %dma_start3A_23 = tpu.memref_slice %arg2[%dma_start3A_20, %mul3A_19] : memref<2x320000xi32, #tpu.memory_space<hbm>> -> memref<1x9984xi32, #tpu.memory_space<hbm>>
    %dma_start3A_24 = tpu.memref_squeeze %dma_start3A_23 : memref<1x9984xi32, #tpu.memory_space<hbm>> -> memref<9984xi32, #tpu.memory_space<hbm>>
    %dma_start3A_25 = arith.constant 0 : i32
    %dma_start3A_26 = tpu.memref_slice %arg8[%dma_start3A_25] : memref<10112xi32, #tpu.memory_space<vmem>> -> memref<9984xi32, #tpu.memory_space<vmem>>
    %dma_start3A_27 = tpu.memref_slice %arg2[%dma_start3A_20, %mul3A_19] : memref<2x320000xi32, #tpu.memory_space<hbm>> -> memref<1x9984xi32, #tpu.memory_space<hbm>>
    %dma_start3A_28 = tpu.memref_squeeze %dma_start3A_27 : memref<1x9984xi32, #tpu.memory_space<hbm>> -> memref<9984xi32, #tpu.memory_space<hbm>>
    tpu.enqueue_dma source(%dma_start3A_28 : memref<9984xi32, #tpu.memory_space<hbm>>) target(%dma_start3A_26 : memref<9984xi32, #tpu.memory_space<vmem>>) target_semaphore(%arg17 : memref<!tpu.dma_semaphore, #tpu.memory_space<semaphore_mem>>)
    %lt3A_29 = arith.constant 4 : i32
    %lt3A_30 = arith.cmpi slt, %add3A, %lt3A_29 : i32
    %convert_element_type3A = arith.extui %lt3A_30 : i1 to i32
    %cond3A = arith.constant 0 : i32
    %cond3A_31 = arith.cmpi ne, %convert_element_type3A, %cond3A : i32
    scf.if %cond3A_31 {
      %add3A_132 = arith.constant 78 : i32
      %add3A_133 = arith.addi %select_n3A, %add3A_132 : i32
      %mul3A_134 = arith.constant 128 : i32
      %mul3A_135 = arith.muli %add3A_133, %mul3A_134 : i32
      %run_scoped3A = arith.constant 0 : i32
      "tpu.region"() ({
        %run_scoped3A_141 = tpu.sem_alloc : memref<!tpu.dma_semaphore, #tpu.memory_space<semaphore_mem>>
        %dma_start3A_142 = arith.constant 9984 : i32
        %dma_start3A_143 = tpu.memref_slice %arg7[%dma_start3A_142] : memref<10112xi32, #tpu.memory_space<vmem>> -> memref<128xi32, #tpu.memory_space<vmem>>
        %dma_start3A_144 = tpu.memref_slice %arg2[%run_scoped3A, %mul3A_135] : memref<2x320000xi32, #tpu.memory_space<hbm>> -> memref<1x128xi32, #tpu.memory_space<hbm>>
        %dma_start3A_145 = tpu.memref_squeeze %dma_start3A_144 : memref<1x128xi32, #tpu.memory_space<hbm>> -> memref<128xi32, #tpu.memory_space<hbm>>
        %dma_start3A_146 = arith.constant 9984 : i32
        %dma_start3A_147 = tpu.memref_slice %arg7[%dma_start3A_146] : memref<10112xi32, #tpu.memory_space<vmem>> -> memref<128xi32, #tpu.memory_space<vmem>>
        %dma_start3A_148 = tpu.memref_slice %arg2[%run_scoped3A, %mul3A_135] : memref<2x320000xi32, #tpu.memory_space<hbm>> -> memref<1x128xi32, #tpu.memory_space<hbm>>
        %dma_start3A_149 = tpu.memref_squeeze %dma_start3A_148 : memref<1x128xi32, #tpu.memory_space<hbm>> -> memref<128xi32, #tpu.memory_space<hbm>>
        tpu.enqueue_dma source(%dma_start3A_149 : memref<128xi32, #tpu.memory_space<hbm>>) target(%dma_start3A_147 : memref<128xi32, #tpu.memory_space<vmem>>) target_semaphore(%run_scoped3A_141 : memref<!tpu.dma_semaphore, #tpu.memory_space<semaphore_mem>>)
        %dma_wait3A_150 = arith.constant 9984 : i32
        %dma_wait3A_151 = tpu.memref_slice %arg7[%dma_wait3A_150] : memref<10112xi32, #tpu.memory_space<vmem>> -> memref<128xi32, #tpu.memory_space<vmem>>
        %dma_wait3A_152 = tpu.memref_slice %arg2[%run_scoped3A, %mul3A_135] : memref<2x320000xi32, #tpu.memory_space<hbm>> -> memref<1x128xi32, #tpu.memory_space<hbm>>
        %dma_wait3A_153 = tpu.memref_squeeze %dma_wait3A_152 : memref<1x128xi32, #tpu.memory_space<hbm>> -> memref<128xi32, #tpu.memory_space<hbm>>
        %dma_wait3A_154 = arith.constant 9984 : i32
        %dma_wait3A_155 = tpu.memref_slice %arg7[%dma_wait3A_154] : memref<10112xi32, #tpu.memory_space<vmem>> -> memref<128xi32, #tpu.memory_space<vmem>>
        %dma_wait3A_156 = tpu.memref_slice %arg2[%run_scoped3A, %mul3A_135] : memref<2x320000xi32, #tpu.memory_space<hbm>> -> memref<1x128xi32, #tpu.memory_space<hbm>>
        %dma_wait3A_157 = tpu.memref_squeeze %dma_wait3A_156 : memref<1x128xi32, #tpu.memory_space<hbm>> -> memref<128xi32, #tpu.memory_space<hbm>>
        tpu.wait_dma2 semaphore(%run_scoped3A_141 : memref<!tpu.dma_semaphore, #tpu.memory_space<semaphore_mem>>) src(%dma_wait3A_157 : memref<128xi32, #tpu.memory_space<hbm>>) dst(%dma_wait3A_155 : memref<128xi32, #tpu.memory_space<vmem>>)
        tpu.yield
      }) : () -> ()
      %add3A_136 = arith.constant 78 : i32
      %add3A_137 = arith.addi %select_n3A, %add3A_136 : i32
      %mul3A_138 = arith.constant 128 : i32
      %mul3A_139 = arith.muli %add3A_137, %mul3A_138 : i32
      %run_scoped3A_140 = arith.constant 1 : i32
      "tpu.region"() ({
        %run_scoped3A_141 = tpu.sem_alloc : memref<!tpu.dma_semaphore, #tpu.memory_space<semaphore_mem>>
        %dma_start3A_142 = arith.constant 9984 : i32
        %dma_start3A_143 = tpu.memref_slice %arg8[%dma_start3A_142] : memref<10112xi32, #tpu.memory_space<vmem>> -> memref<128xi32, #tpu.memory_space<vmem>>
        %dma_start3A_144 = tpu.memref_slice %arg2[%run_scoped3A_140, %mul3A_139] : memref<2x320000xi32, #tpu.memory_space<hbm>> -> memref<1x128xi32, #tpu.memory_space<hbm>>
        %dma_start3A_145 = tpu.memref_squeeze %dma_start3A_144 : memref<1x128xi32, #tpu.memory_space<hbm>> -> memref<128xi32, #tpu.memory_space<hbm>>
        %dma_start3A_146 = arith.constant 9984 : i32
        %dma_start3A_147 = tpu.memref_slice %arg8[%dma_start3A_146] : memref<10112xi32, #tpu.memory_space<vmem>> -> memref<128xi32, #tpu.memory_space<vmem>>
        %dma_start3A_148 = tpu.memref_slice %arg2[%run_scoped3A_140, %mul3A_139] : memref<2x320000xi32, #tpu.memory_space<hbm>> -> memref<1x128xi32, #tpu.memory_space<hbm>>
        %dma_start3A_149 = tpu.memref_squeeze %dma_start3A_148 : memref<1x128xi32, #tpu.memory_space<hbm>> -> memref<128xi32, #tpu.memory_space<hbm>>
        tpu.enqueue_dma source(%dma_start3A_149 : memref<128xi32, #tpu.memory_space<hbm>>) target(%dma_start3A_147 : memref<128xi32, #tpu.memory_space<vmem>>) target_semaphore(%run_scoped3A_141 : memref<!tpu.dma_semaphore, #tpu.memory_space<semaphore_mem>>)
        %dma_wait3A_150 = arith.constant 9984 : i32
        %dma_wait3A_151 = tpu.memref_slice %arg8[%dma_wait3A_150] : memref<10112xi32, #tpu.memory_space<vmem>> -> memref<128xi32, #tpu.memory_space<vmem>>
        %dma_wait3A_152 = tpu.memref_slice %arg2[%run_scoped3A_140, %mul3A_139] : memref<2x320000xi32, #tpu.memory_space<hbm>> -> memref<1x128xi32, #tpu.memory_space<hbm>>
        %dma_wait3A_153 = tpu.memref_squeeze %dma_wait3A_152 : memref<1x128xi32, #tpu.memory_space<hbm>> -> memref<128xi32, #tpu.memory_space<hbm>>
        %dma_wait3A_154 = arith.constant 9984 : i32
        %dma_wait3A_155 = tpu.memref_slice %arg8[%dma_wait3A_154] : memref<10112xi32, #tpu.memory_space<vmem>> -> memref<128xi32, #tpu.memory_space<vmem>>
        %dma_wait3A_156 = tpu.memref_slice %arg2[%run_scoped3A_140, %mul3A_139] : memref<2x320000xi32, #tpu.memory_space<hbm>> -> memref<1x128xi32, #tpu.memory_space<hbm>>
        %dma_wait3A_157 = tpu.memref_squeeze %dma_wait3A_156 : memref<1x128xi32, #tpu.memory_space<hbm>> -> memref<128xi32, #tpu.memory_space<hbm>>
        tpu.wait_dma2 semaphore(%run_scoped3A_141 : memref<!tpu.dma_semaphore, #tpu.memory_space<semaphore_mem>>) src(%dma_wait3A_157 : memref<128xi32, #tpu.memory_space<hbm>>) dst(%dma_wait3A_155 : memref<128xi32, #tpu.memory_space<vmem>>)
        tpu.yield
      }) : () -> ()
    } else {
    }
    %mul3A_32 = arith.constant 640 : i32
    %mul3A_33 = arith.muli %arg1, %mul3A_32 : i32
    %lt3A_34 = arith.constant 15 : i32
    %lt3A_35 = arith.cmpi slt, %arg1, %lt3A_34 : i32
    %convert_element_type3A_36 = arith.extui %lt3A_35 : i1 to i32
    %cond3A_37 = arith.constant 0 : i32
    %cond3A_38 = arith.cmpi ne, %convert_element_type3A_36, %cond3A_37 : i32
    scf.if %cond3A_38 {
      %run_scoped3A = arith.constant 0 : i32
      "tpu.region"() ({
        %run_scoped3A_133 = tpu.sem_alloc : memref<!tpu.dma_semaphore, #tpu.memory_space<semaphore_mem>>
        %dma_start3A_134 = tpu.memref_slice %arg3[%run_scoped3A, %mul3A_33] : memref<2x10000xf32, #tpu.memory_space<hbm>> -> memref<1x640xf32, #tpu.memory_space<hbm>>
        %dma_start3A_135 = tpu.memref_squeeze %dma_start3A_134 : memref<1x640xf32, #tpu.memory_space<hbm>> -> memref<640xf32, #tpu.memory_space<hbm>>
        %dma_start3A_136 = tpu.memref_slice %arg3[%run_scoped3A, %mul3A_33] : memref<2x10000xf32, #tpu.memory_space<hbm>> -> memref<1x640xf32, #tpu.memory_space<hbm>>
        %dma_start3A_137 = tpu.memref_squeeze %dma_start3A_136 : memref<1x640xf32, #tpu.memory_space<hbm>> -> memref<640xf32, #tpu.memory_space<hbm>>
        tpu.enqueue_dma source(%dma_start3A_137 : memref<640xf32, #tpu.memory_space<hbm>>) target(%arg10 : memref<640xf32, #tpu.memory_space<vmem>>) target_semaphore(%run_scoped3A_133 : memref<!tpu.dma_semaphore, #tpu.memory_space<semaphore_mem>>)
        %dma_wait3A_138 = tpu.memref_slice %arg3[%run_scoped3A, %mul3A_33] : memref<2x10000xf32, #tpu.memory_space<hbm>> -> memref<1x640xf32, #tpu.memory_space<hbm>>
        %dma_wait3A_139 = tpu.memref_squeeze %dma_wait3A_138 : memref<1x640xf32, #tpu.memory_space<hbm>> -> memref<640xf32, #tpu.memory_space<hbm>>
        %dma_wait3A_140 = tpu.memref_slice %arg3[%run_scoped3A, %mul3A_33] : memref<2x10000xf32, #tpu.memory_space<hbm>> -> memref<1x640xf32, #tpu.memory_space<hbm>>
        %dma_wait3A_141 = tpu.memref_squeeze %dma_wait3A_140 : memref<1x640xf32, #tpu.memory_space<hbm>> -> memref<640xf32, #tpu.memory_space<hbm>>
        tpu.wait_dma2 semaphore(%run_scoped3A_133 : memref<!tpu.dma_semaphore, #tpu.memory_space<semaphore_mem>>) src(%dma_wait3A_141 : memref<640xf32, #tpu.memory_space<hbm>>) dst(%arg10 : memref<640xf32, #tpu.memory_space<vmem>>)
        tpu.yield
      }) : () -> ()
      %run_scoped3A_132 = arith.constant 1 : i32
      "tpu.region"() ({
        %run_scoped3A_133 = tpu.sem_alloc : memref<!tpu.dma_semaphore, #tpu.memory_space<semaphore_mem>>
        %dma_start3A_134 = tpu.memref_slice %arg3[%run_scoped3A_132, %mul3A_33] : memref<2x10000xf32, #tpu.memory_space<hbm>> -> memref<1x640xf32, #tpu.memory_space<hbm>>
        %dma_start3A_135 = tpu.memref_squeeze %dma_start3A_134 : memref<1x640xf32, #tpu.memory_space<hbm>> -> memref<640xf32, #tpu.memory_space<hbm>>
        %dma_start3A_136 = tpu.memref_slice %arg3[%run_scoped3A_132, %mul3A_33] : memref<2x10000xf32, #tpu.memory_space<hbm>> -> memref<1x640xf32, #tpu.memory_space<hbm>>
        %dma_start3A_137 = tpu.memref_squeeze %dma_start3A_136 : memref<1x640xf32, #tpu.memory_space<hbm>> -> memref<640xf32, #tpu.memory_space<hbm>>
        tpu.enqueue_dma source(%dma_start3A_137 : memref<640xf32, #tpu.memory_space<hbm>>) target(%arg11 : memref<640xf32, #tpu.memory_space<vmem>>) target_semaphore(%run_scoped3A_133 : memref<!tpu.dma_semaphore, #tpu.memory_space<semaphore_mem>>)
        %dma_wait3A_138 = tpu.memref_slice %arg3[%run_scoped3A_132, %mul3A_33] : memref<2x10000xf32, #tpu.memory_space<hbm>> -> memref<1x640xf32, #tpu.memory_space<hbm>>
        %dma_wait3A_139 = tpu.memref_squeeze %dma_wait3A_138 : memref<1x640xf32, #tpu.memory_space<hbm>> -> memref<640xf32, #tpu.memory_space<hbm>>
        %dma_wait3A_140 = tpu.memref_slice %arg3[%run_scoped3A_132, %mul3A_33] : memref<2x10000xf32, #tpu.memory_space<hbm>> -> memref<1x640xf32, #tpu.memory_space<hbm>>
        %dma_wait3A_141 = tpu.memref_squeeze %dma_wait3A_140 : memref<1x640xf32, #tpu.memory_space<hbm>> -> memref<640xf32, #tpu.memory_space<hbm>>
        tpu.wait_dma2 semaphore(%run_scoped3A_133 : memref<!tpu.dma_semaphore, #tpu.memory_space<semaphore_mem>>) src(%dma_wait3A_141 : memref<640xf32, #tpu.memory_space<hbm>>) dst(%arg11 : memref<640xf32, #tpu.memory_space<vmem>>)
        tpu.yield
      }) : () -> ()
      "tpu.region"() ({
        %run_scoped3A_133 = tpu.sem_alloc : memref<!tpu.dma_semaphore, #tpu.memory_space<semaphore_mem>>
        %dma_start3A_134 = tpu.memref_slice %arg4[%mul3A_33] : memref<10000xf32, #tpu.memory_space<hbm>> -> memref<640xf32, #tpu.memory_space<hbm>>
        %dma_start3A_135 = tpu.memref_slice %arg4[%mul3A_33] : memref<10000xf32, #tpu.memory_space<hbm>> -> memref<640xf32, #tpu.memory_space<hbm>>
        tpu.enqueue_dma source(%dma_start3A_135 : memref<640xf32, #tpu.memory_space<hbm>>) target(%arg12 : memref<640xf32, #tpu.memory_space<vmem>>) target_semaphore(%run_scoped3A_133 : memref<!tpu.dma_semaphore, #tpu.memory_space<semaphore_mem>>)
        %dma_wait3A_136 = tpu.memref_slice %arg4[%mul3A_33] : memref<10000xf32, #tpu.memory_space<hbm>> -> memref<640xf32, #tpu.memory_space<hbm>>
        %dma_wait3A_137 = tpu.memref_slice %arg4[%mul3A_33] : memref<10000xf32, #tpu.memory_space<hbm>> -> memref<640xf32, #tpu.memory_space<hbm>>
        tpu.wait_dma2 semaphore(%run_scoped3A_133 : memref<!tpu.dma_semaphore, #tpu.memory_space<semaphore_mem>>) src(%dma_wait3A_137 : memref<640xf32, #tpu.memory_space<hbm>>) dst(%arg12 : memref<640xf32, #tpu.memory_space<vmem>>)
        tpu.yield
      }) : () -> ()
    } else {
    }
    %eq3A = arith.constant 15 : i32
    %eq3A_39 = arith.cmpi eq, %arg1, %eq3A : i32
    %convert_element_type3A_40 = arith.extui %eq3A_39 : i1 to i32
    %cond3A_41 = arith.constant 0 : i32
    %cond3A_42 = arith.cmpi ne, %convert_element_type3A_40, %cond3A_41 : i32
    scf.if %cond3A_42 {
      %run_scoped3A = arith.constant 0 : i32
      "tpu.region"() ({
        %run_scoped3A_133 = tpu.sem_alloc : memref<!tpu.dma_semaphore, #tpu.memory_space<semaphore_mem>>
        %dma_start3A_134 = arith.constant 0 : i32
        %dma_start3A_135 = tpu.memref_slice %arg10[%dma_start3A_134] : memref<640xf32, #tpu.memory_space<vmem>> -> memref<400xf32, #tpu.memory_space<vmem>>
        %dma_start3A_136 = tpu.memref_slice %arg3[%run_scoped3A, %mul3A_33] : memref<2x10000xf32, #tpu.memory_space<hbm>> -> memref<1x400xf32, #tpu.memory_space<hbm>>
        %dma_start3A_137 = tpu.memref_squeeze %dma_start3A_136 : memref<1x400xf32, #tpu.memory_space<hbm>> -> memref<400xf32, #tpu.memory_space<hbm>>
        %dma_start3A_138 = arith.constant 0 : i32
        %dma_start3A_139 = tpu.memref_slice %arg10[%dma_start3A_138] : memref<640xf32, #tpu.memory_space<vmem>> -> memref<400xf32, #tpu.memory_space<vmem>>
        %dma_start3A_140 = tpu.memref_slice %arg3[%run_scoped3A, %mul3A_33] : memref<2x10000xf32, #tpu.memory_space<hbm>> -> memref<1x400xf32, #tpu.memory_space<hbm>>
        %dma_start3A_141 = tpu.memref_squeeze %dma_start3A_140 : memref<1x400xf32, #tpu.memory_space<hbm>> -> memref<400xf32, #tpu.memory_space<hbm>>
        tpu.enqueue_dma source(%dma_start3A_141 : memref<400xf32, #tpu.memory_space<hbm>>) target(%dma_start3A_139 : memref<400xf32, #tpu.memory_space<vmem>>) target_semaphore(%run_scoped3A_133 : memref<!tpu.dma_semaphore, #tpu.memory_space<semaphore_mem>>)
        %dma_wait3A_142 = arith.constant 0 : i32
        %dma_wait3A_143 = tpu.memref_slice %arg10[%dma_wait3A_142] : memref<640xf32, #tpu.memory_space<vmem>> -> memref<400xf32, #tpu.memory_space<vmem>>
        %dma_wait3A_144 = tpu.memref_slice %arg3[%run_scoped3A, %mul3A_33] : memref<2x10000xf32, #tpu.memory_space<hbm>> -> memref<1x400xf32, #tpu.memory_space<hbm>>
        %dma_wait3A_145 = tpu.memref_squeeze %dma_wait3A_144 : memref<1x400xf32, #tpu.memory_space<hbm>> -> memref<400xf32, #tpu.memory_space<hbm>>
        %dma_wait3A_146 = arith.constant 0 : i32
        %dma_wait3A_147 = tpu.memref_slice %arg10[%dma_wait3A_146] : memref<640xf32, #tpu.memory_space<vmem>> -> memref<400xf32, #tpu.memory_space<vmem>>
        %dma_wait3A_148 = tpu.memref_slice %arg3[%run_scoped3A, %mul3A_33] : memref<2x10000xf32, #tpu.memory_space<hbm>> -> memref<1x400xf32, #tpu.memory_space<hbm>>
        %dma_wait3A_149 = tpu.memref_squeeze %dma_wait3A_148 : memref<1x400xf32, #tpu.memory_space<hbm>> -> memref<400xf32, #tpu.memory_space<hbm>>
        tpu.wait_dma2 semaphore(%run_scoped3A_133 : memref<!tpu.dma_semaphore, #tpu.memory_space<semaphore_mem>>) src(%dma_wait3A_149 : memref<400xf32, #tpu.memory_space<hbm>>) dst(%dma_wait3A_147 : memref<400xf32, #tpu.memory_space<vmem>>)
        tpu.yield
      }) : () -> ()
      %run_scoped3A_132 = arith.constant 1 : i32
      "tpu.region"() ({
        %run_scoped3A_133 = tpu.sem_alloc : memref<!tpu.dma_semaphore, #tpu.memory_space<semaphore_mem>>
        %dma_start3A_134 = arith.constant 0 : i32
        %dma_start3A_135 = tpu.memref_slice %arg11[%dma_start3A_134] : memref<640xf32, #tpu.memory_space<vmem>> -> memref<400xf32, #tpu.memory_space<vmem>>
        %dma_start3A_136 = tpu.memref_slice %arg3[%run_scoped3A_132, %mul3A_33] : memref<2x10000xf32, #tpu.memory_space<hbm>> -> memref<1x400xf32, #tpu.memory_space<hbm>>
        %dma_start3A_137 = tpu.memref_squeeze %dma_start3A_136 : memref<1x400xf32, #tpu.memory_space<hbm>> -> memref<400xf32, #tpu.memory_space<hbm>>
        %dma_start3A_138 = arith.constant 0 : i32
        %dma_start3A_139 = tpu.memref_slice %arg11[%dma_start3A_138] : memref<640xf32, #tpu.memory_space<vmem>> -> memref<400xf32, #tpu.memory_space<vmem>>
        %dma_start3A_140 = tpu.memref_slice %arg3[%run_scoped3A_132, %mul3A_33] : memref<2x10000xf32, #tpu.memory_space<hbm>> -> memref<1x400xf32, #tpu.memory_space<hbm>>
        %dma_start3A_141 = tpu.memref_squeeze %dma_start3A_140 : memref<1x400xf32, #tpu.memory_space<hbm>> -> memref<400xf32, #tpu.memory_space<hbm>>
        tpu.enqueue_dma source(%dma_start3A_141 : memref<400xf32, #tpu.memory_space<hbm>>) target(%dma_start3A_139 : memref<400xf32, #tpu.memory_space<vmem>>) target_semaphore(%run_scoped3A_133 : memref<!tpu.dma_semaphore, #tpu.memory_space<semaphore_mem>>)
        %dma_wait3A_142 = arith.constant 0 : i32
        %dma_wait3A_143 = tpu.memref_slice %arg11[%dma_wait3A_142] : memref<640xf32, #tpu.memory_space<vmem>> -> memref<400xf32, #tpu.memory_space<vmem>>
        %dma_wait3A_144 = tpu.memref_slice %arg3[%run_scoped3A_132, %mul3A_33] : memref<2x10000xf32, #tpu.memory_space<hbm>> -> memref<1x400xf32, #tpu.memory_space<hbm>>
        %dma_wait3A_145 = tpu.memref_squeeze %dma_wait3A_144 : memref<1x400xf32, #tpu.memory_space<hbm>> -> memref<400xf32, #tpu.memory_space<hbm>>
        %dma_wait3A_146 = arith.constant 0 : i32
        %dma_wait3A_147 = tpu.memref_slice %arg11[%dma_wait3A_146] : memref<640xf32, #tpu.memory_space<vmem>> -> memref<400xf32, #tpu.memory_space<vmem>>
        %dma_wait3A_148 = tpu.memref_slice %arg3[%run_scoped3A_132, %mul3A_33] : memref<2x10000xf32, #tpu.memory_space<hbm>> -> memref<1x400xf32, #tpu.memory_space<hbm>>
        %dma_wait3A_149 = tpu.memref_squeeze %dma_wait3A_148 : memref<1x400xf32, #tpu.memory_space<hbm>> -> memref<400xf32, #tpu.memory_space<hbm>>
        tpu.wait_dma2 semaphore(%run_scoped3A_133 : memref<!tpu.dma_semaphore, #tpu.memory_space<semaphore_mem>>) src(%dma_wait3A_149 : memref<400xf32, #tpu.memory_space<hbm>>) dst(%dma_wait3A_147 : memref<400xf32, #tpu.memory_space<vmem>>)
        tpu.yield
      }) : () -> ()
      "tpu.region"() ({
        %run_scoped3A_133 = tpu.sem_alloc : memref<!tpu.dma_semaphore, #tpu.memory_space<semaphore_mem>>
        %dma_start3A_134 = arith.constant 0 : i32
        %dma_start3A_135 = tpu.memref_slice %arg12[%dma_start3A_134] : memref<640xf32, #tpu.memory_space<vmem>> -> memref<400xf32, #tpu.memory_space<vmem>>
        %dma_start3A_136 = tpu.memref_slice %arg4[%mul3A_33] : memref<10000xf32, #tpu.memory_space<hbm>> -> memref<400xf32, #tpu.memory_space<hbm>>
        %dma_start3A_137 = arith.constant 0 : i32
        %dma_start3A_138 = tpu.memref_slice %arg12[%dma_start3A_137] : memref<640xf32, #tpu.memory_space<vmem>> -> memref<400xf32, #tpu.memory_space<vmem>>
        %dma_start3A_139 = tpu.memref_slice %arg4[%mul3A_33] : memref<10000xf32, #tpu.memory_space<hbm>> -> memref<400xf32, #tpu.memory_space<hbm>>
        tpu.enqueue_dma source(%dma_start3A_139 : memref<400xf32, #tpu.memory_space<hbm>>) target(%dma_start3A_138 : memref<400xf32, #tpu.memory_space<vmem>>) target_semaphore(%run_scoped3A_133 : memref<!tpu.dma_semaphore, #tpu.memory_space<semaphore_mem>>)
        %dma_wait3A_140 = arith.constant 0 : i32
        %dma_wait3A_141 = tpu.memref_slice %arg12[%dma_wait3A_140] : memref<640xf32, #tpu.memory_space<vmem>> -> memref<400xf32, #tpu.memory_space<vmem>>
        %dma_wait3A_142 = tpu.memref_slice %arg4[%mul3A_33] : memref<10000xf32, #tpu.memory_space<hbm>> -> memref<400xf32, #tpu.memory_space<hbm>>
        %dma_wait3A_143 = arith.constant 0 : i32
        %dma_wait3A_144 = tpu.memref_slice %arg12[%dma_wait3A_143] : memref<640xf32, #tpu.memory_space<vmem>> -> memref<400xf32, #tpu.memory_space<vmem>>
        %dma_wait3A_145 = tpu.memref_slice %arg4[%mul3A_33] : memref<10000xf32, #tpu.memory_space<hbm>> -> memref<400xf32, #tpu.memory_space<hbm>>
        tpu.wait_dma2 semaphore(%run_scoped3A_133 : memref<!tpu.dma_semaphore, #tpu.memory_space<semaphore_mem>>) src(%dma_wait3A_145 : memref<400xf32, #tpu.memory_space<hbm>>) dst(%dma_wait3A_144 : memref<400xf32, #tpu.memory_space<vmem>>)
        tpu.yield
      }) : () -> ()
    } else {
    }
    %scan3A = arith.constant 0 : i32
    %scan3A_43 = arith.constant 0 : i32
    %scan3A_44 = arith.constant 40 : i32
    %scan3A_45 = arith.addi %scan3A_43, %scan3A_44 : i32
    %scan3A_46 = arith.constant 1 : i32
    scf.for %scan3A_132 = %scan3A_43 to %scan3A_45 step %scan3A_46  : i32 {
      %mul3A_133 = arith.constant 16 : i32
      %mul3A_134 = arith.muli %scan3A_132, %mul3A_133 : i32
      %get3A = arith.index_cast %mul3A_134 : i32 to index
      %get3A_135 = tpu.vector_load %arg10[%get3A] {strides = array<i32>} : memref<640xf32, #tpu.memory_space<vmem>>, vector<16xf32>,
      %get3A_136 = arith.index_cast %mul3A_134 : i32 to index
      %get3A_137 = tpu.vector_load %arg11[%get3A_136] {strides = array<i32>} : memref<640xf32, #tpu.memory_space<vmem>>, vector<16xf32>,
      %add3A_138 = arith.addf %get3A_135, %get3A_137 : vector<16xf32>
      %add3A_139 = arith.constant 1.000000e+00 : f32
      %add3A_140 = vector.broadcast %add3A_139 : f32 to vector<16xf32>
      %add3A_141 = arith.addf %add3A_138, %add3A_140 : vector<16xf32>
      %bitcast3A = vector.bitcast %add3A_141 : vector<16xf32> to vector<16xi32>
      %shift_right_arithmetic3A = arith.constant 1 : i32
      %shift_right_arithmetic3A_142 = vector.broadcast %shift_right_arithmetic3A : i32 to vector<16xi32>
      %shift_right_arithmetic3A_143 = arith.shrsi %bitcast3A, %shift_right_arithmetic3A_142 : vector<16xi32>
      %sub3A = arith.constant 1597463007 : i32
      %sub3A_144 = vector.broadcast %sub3A : i32 to vector<16xi32>
      %sub3A_145 = arith.subi %sub3A_144, %shift_right_arithmetic3A_143 : vector<16xi32>
      %bitcast3A_146 = vector.bitcast %sub3A_145 : vector<16xi32> to vector<16xf32>
      %mul3A_147 = arith.constant 5.000000e-01 : f32
      %mul3A_148 = vector.broadcast %mul3A_147 : f32 to vector<16xf32>
      %mul3A_149 = arith.mulf %mul3A_148, %add3A_141 : vector<16xf32>
      %mul3A_150 = arith.mulf %mul3A_149, %bitcast3A_146 : vector<16xf32>
      %mul3A_151 = arith.mulf %mul3A_150, %bitcast3A_146 : vector<16xf32>
      %sub3A_152 = arith.constant 1.500000e+00 : f32
      %sub3A_153 = vector.broadcast %sub3A_152 : f32 to vector<16xf32>
      %sub3A_154 = arith.subf %sub3A_153, %mul3A_151 : vector<16xf32>
      %mul3A_155 = arith.mulf %bitcast3A_146, %sub3A_154 : vector<16xf32>
      %mul3A_156 = arith.constant 5.000000e-01 : f32
      %mul3A_157 = vector.broadcast %mul3A_156 : f32 to vector<16xf32>
      %mul3A_158 = arith.mulf %mul3A_157, %add3A_141 : vector<16xf32>
      %mul3A_159 = arith.mulf %mul3A_158, %mul3A_155 : vector<16xf32>
      %mul3A_160 = arith.mulf %mul3A_159, %mul3A_155 : vector<16xf32>
      %sub3A_161 = arith.constant 1.500000e+00 : f32
      %sub3A_162 = vector.broadcast %sub3A_161 : f32 to vector<16xf32>
      %sub3A_163 = arith.subf %sub3A_162, %mul3A_160 : vector<16xf32>
      %mul3A_164 = arith.mulf %mul3A_155, %sub3A_163 : vector<16xf32>
      %mul3A_165 = arith.constant 5.000000e-01 : f32
      %mul3A_166 = vector.broadcast %mul3A_165 : f32 to vector<16xf32>
      %mul3A_167 = arith.mulf %mul3A_166, %add3A_141 : vector<16xf32>
      %mul3A_168 = arith.mulf %mul3A_167, %mul3A_164 : vector<16xf32>
      %mul3A_169 = arith.mulf %mul3A_168, %mul3A_164 : vector<16xf32>
      %sub3A_170 = arith.constant 1.500000e+00 : f32
      %sub3A_171 = vector.broadcast %sub3A_170 : f32 to vector<16xf32>
      %sub3A_172 = arith.subf %sub3A_171, %mul3A_169 : vector<16xf32>
      %mul3A_173 = arith.mulf %mul3A_164, %sub3A_172 : vector<16xf32>
      %swap3A = arith.index_cast %mul3A_134 : i32 to index
      %swap3A_174 = tpu.vector_load %arg13[%swap3A] {strides = array<i32>} : memref<640xf32, #tpu.memory_space<vmem>>, vector<16xf32>,
      tpu.vector_store %arg13[%swap3A], %mul3A_173 {strides = array<i32>} : memref<640xf32, #tpu.memory_space<vmem>>, vector<16xf32>,
      %get3A_175 = arith.index_cast %mul3A_134 : i32 to index
      %get3A_176 = tpu.vector_load %arg12[%get3A_175] {strides = array<i32>} : memref<640xf32, #tpu.memory_space<vmem>>, vector<16xf32>,
      %mul3A_177 = arith.mulf %mul3A_173, %get3A_176 : vector<16xf32>
      %swap3A_178 = arith.index_cast %mul3A_134 : i32 to index
      %swap3A_179 = tpu.vector_load %arg10[%swap3A_178] {strides = array<i32>} : memref<640xf32, #tpu.memory_space<vmem>>, vector<16xf32>,
      tpu.vector_store %arg10[%swap3A_178], %mul3A_177 {strides = array<i32>} : memref<640xf32, #tpu.memory_space<vmem>>, vector<16xf32>,
    }
    %scan3A_47 = arith.constant 40 : i32
    %lt3A_48 = arith.constant 15 : i32
    %lt3A_49 = arith.cmpi slt, %arg1, %lt3A_48 : i32
    %convert_element_type3A_50 = arith.extui %lt3A_49 : i1 to i32
    %cond3A_51 = arith.constant 0 : i32
    %cond3A_52 = arith.cmpi ne, %convert_element_type3A_50, %cond3A_51 : i32
    scf.if %cond3A_52 {
      "tpu.region"() ({
        %run_scoped3A = tpu.sem_alloc : memref<!tpu.dma_semaphore, #tpu.memory_space<semaphore_mem>>
        %dma_start3A_132 = tpu.memref_slice %arg15[%mul3A_33] : memref<10240xf32, #tpu.memory_space<vmem_shared>> -> memref<640xf32, #tpu.memory_space<vmem_shared>>
        %dma_start3A_133 = tpu.memref_slice %arg15[%mul3A_33] : memref<10240xf32, #tpu.memory_space<vmem_shared>> -> memref<640xf32, #tpu.memory_space<vmem_shared>>
        tpu.enqueue_dma source(%arg10 : memref<640xf32, #tpu.memory_space<vmem>>) target(%dma_start3A_133 : memref<640xf32, #tpu.memory_space<vmem_shared>>) target_semaphore(%run_scoped3A : memref<!tpu.dma_semaphore, #tpu.memory_space<semaphore_mem>>)
        %dma_wait3A_134 = tpu.memref_slice %arg15[%mul3A_33] : memref<10240xf32, #tpu.memory_space<vmem_shared>> -> memref<640xf32, #tpu.memory_space<vmem_shared>>
        %dma_wait3A_135 = tpu.memref_slice %arg15[%mul3A_33] : memref<10240xf32, #tpu.memory_space<vmem_shared>> -> memref<640xf32, #tpu.memory_space<vmem_shared>>
        tpu.wait_dma2 semaphore(%run_scoped3A : memref<!tpu.dma_semaphore, #tpu.memory_space<semaphore_mem>>) src(%arg10 : memref<640xf32, #tpu.memory_space<vmem>>) dst(%dma_wait3A_135 : memref<640xf32, #tpu.memory_space<vmem_shared>>)
        tpu.yield
      }) : () -> ()
    } else {
    }
    %eq3A_53 = arith.constant 15 : i32
    %eq3A_54 = arith.cmpi eq, %arg1, %eq3A_53 : i32
    %convert_element_type3A_55 = arith.extui %eq3A_54 : i1 to i32
    %cond3A_56 = arith.constant 0 : i32
    %cond3A_57 = arith.cmpi ne, %convert_element_type3A_55, %cond3A_56 : i32
    scf.if %cond3A_57 {
      "tpu.region"() ({
        %run_scoped3A = tpu.sem_alloc : memref<!tpu.dma_semaphore, #tpu.memory_space<semaphore_mem>>
        %dma_start3A_132 = arith.constant 0 : i32
        %dma_start3A_133 = tpu.memref_slice %arg10[%dma_start3A_132] : memref<640xf32, #tpu.memory_space<vmem>> -> memref<400xf32, #tpu.memory_space<vmem>>
        %dma_start3A_134 = tpu.memref_slice %arg15[%mul3A_33] : memref<10240xf32, #tpu.memory_space<vmem_shared>> -> memref<400xf32, #tpu.memory_space<vmem_shared>>
        %dma_start3A_135 = tpu.memref_slice %arg15[%mul3A_33] : memref<10240xf32, #tpu.memory_space<vmem_shared>> -> memref<400xf32, #tpu.memory_space<vmem_shared>>
        %dma_start3A_136 = arith.constant 0 : i32
        %dma_start3A_137 = tpu.memref_slice %arg10[%dma_start3A_136] : memref<640xf32, #tpu.memory_space<vmem>> -> memref<400xf32, #tpu.memory_space<vmem>>
        tpu.enqueue_dma source(%dma_start3A_137 : memref<400xf32, #tpu.memory_space<vmem>>) target(%dma_start3A_135 : memref<400xf32, #tpu.memory_space<vmem_shared>>) target_semaphore(%run_scoped3A : memref<!tpu.dma_semaphore, #tpu.memory_space<semaphore_mem>>)
        %dma_wait3A_138 = arith.constant 0 : i32
        %dma_wait3A_139 = tpu.memref_slice %arg10[%dma_wait3A_138] : memref<640xf32, #tpu.memory_space<vmem>> -> memref<400xf32, #tpu.memory_space<vmem>>
        %dma_wait3A_140 = tpu.memref_slice %arg15[%mul3A_33] : memref<10240xf32, #tpu.memory_space<vmem_shared>> -> memref<400xf32, #tpu.memory_space<vmem_shared>>
        %dma_wait3A_141 = tpu.memref_slice %arg15[%mul3A_33] : memref<10240xf32, #tpu.memory_space<vmem_shared>> -> memref<400xf32, #tpu.memory_space<vmem_shared>>
        %dma_wait3A_142 = arith.constant 0 : i32
        %dma_wait3A_143 = tpu.memref_slice %arg10[%dma_wait3A_142] : memref<640xf32, #tpu.memory_space<vmem>> -> memref<400xf32, #tpu.memory_space<vmem>>
        tpu.wait_dma2 semaphore(%run_scoped3A : memref<!tpu.dma_semaphore, #tpu.memory_space<semaphore_mem>>) src(%dma_wait3A_143 : memref<400xf32, #tpu.memory_space<vmem>>) dst(%dma_wait3A_141 : memref<400xf32, #tpu.memory_space<vmem_shared>>)
        tpu.yield
      }) : () -> ()
    } else {
    }
    %scan3A_58 = arith.constant 0 : i32
    %scan3A_59 = arith.constant 0 : i32
    %scan3A_60 = arith.constant 40 : i32
    %scan3A_61 = arith.addi %scan3A_59, %scan3A_60 : i32
    %scan3A_62 = arith.constant 1 : i32
    scf.for %scan3A_132 = %scan3A_59 to %scan3A_61 step %scan3A_62  : i32 {
      %broadcast_in_dim3A = arith.constant 0.000000e+00 : f32
      %broadcast_in_dim3A_133 = vector.broadcast %broadcast_in_dim3A : f32 to vector<16xf32>
      %mul3A_134 = arith.constant 16 : i32
      %mul3A_135 = arith.muli %scan3A_132, %mul3A_134 : i32
      %swap3A = arith.index_cast %mul3A_135 : i32 to index
      %swap3A_136 = tpu.vector_load %arg12[%swap3A] {strides = array<i32>} : memref<640xf32, #tpu.memory_space<vmem>>, vector<16xf32>,
      tpu.vector_store %arg12[%swap3A], %broadcast_in_dim3A_133 {strides = array<i32>} : memref<640xf32, #tpu.memory_space<vmem>>, vector<16xf32>,
    }
    %scan3A_63 = arith.constant 40 : i32
    %mul3A_64 = arith.constant 640 : i32
    %mul3A_65 = arith.muli %arg1, %mul3A_64 : i32
    "tpu.region"() ({
      %run_scoped3A = tpu.sem_alloc : memref<!tpu.dma_semaphore, #tpu.memory_space<semaphore_mem>>
      %dma_start3A_132 = tpu.memref_slice %arg14[%mul3A_65] : memref<10240xf32, #tpu.memory_space<vmem_shared>> -> memref<640xf32, #tpu.memory_space<vmem_shared>>
      %dma_start3A_133 = tpu.memref_slice %arg14[%mul3A_65] : memref<10240xf32, #tpu.memory_space<vmem_shared>> -> memref<640xf32, #tpu.memory_space<vmem_shared>>
      tpu.enqueue_dma source(%arg12 : memref<640xf32, #tpu.memory_space<vmem>>) target(%dma_start3A_133 : memref<640xf32, #tpu.memory_space<vmem_shared>>) target_semaphore(%run_scoped3A : memref<!tpu.dma_semaphore, #tpu.memory_space<semaphore_mem>>)
      %dma_wait3A_134 = tpu.memref_slice %arg14[%mul3A_65] : memref<10240xf32, #tpu.memory_space<vmem_shared>> -> memref<640xf32, #tpu.memory_space<vmem_shared>>
      %dma_wait3A_135 = tpu.memref_slice %arg14[%mul3A_65] : memref<10240xf32, #tpu.memory_space<vmem_shared>> -> memref<640xf32, #tpu.memory_space<vmem_shared>>
      tpu.wait_dma2 semaphore(%run_scoped3A : memref<!tpu.dma_semaphore, #tpu.memory_space<semaphore_mem>>) src(%arg12 : memref<640xf32, #tpu.memory_space<vmem>>) dst(%dma_wait3A_135 : memref<640xf32, #tpu.memory_space<vmem_shared>>)
      tpu.yield
    }) : () -> ()
    %barrier3A = arith.constant 0 : index
    tpu.barrier barrier_id(%barrier3A)
    "tpu.region"() ({
      %run_scoped3A = tpu.sem_alloc : memref<!tpu.dma_semaphore, #tpu.memory_space<semaphore_mem>>
      %dma_start3A_132 = arith.constant 0 : i32
      %dma_start3A_133 = tpu.memref_slice %arg6[%dma_start3A_132] : memref<10240xf32, #tpu.memory_space<vmem>> -> memref<10000xf32, #tpu.memory_space<vmem>>
      %dma_start3A_134 = arith.constant 0 : i32
      %dma_start3A_135 = tpu.memref_slice %arg15[%dma_start3A_134] : memref<10240xf32, #tpu.memory_space<vmem_shared>> -> memref<10000xf32, #tpu.memory_space<vmem_shared>>
      %dma_start3A_136 = arith.constant 0 : i32
      %dma_start3A_137 = tpu.memref_slice %arg6[%dma_start3A_136] : memref<10240xf32, #tpu.memory_space<vmem>> -> memref<10000xf32, #tpu.memory_space<vmem>>
      %dma_start3A_138 = arith.constant 0 : i32
      %dma_start3A_139 = tpu.memref_slice %arg15[%dma_start3A_138] : memref<10240xf32, #tpu.memory_space<vmem_shared>> -> memref<10000xf32, #tpu.memory_space<vmem_shared>>
      tpu.enqueue_dma source(%dma_start3A_139 : memref<10000xf32, #tpu.memory_space<vmem_shared>>) target(%dma_start3A_137 : memref<10000xf32, #tpu.memory_space<vmem>>) target_semaphore(%run_scoped3A : memref<!tpu.dma_semaphore, #tpu.memory_space<semaphore_mem>>)
      %dma_wait3A_140 = arith.constant 0 : i32
      %dma_wait3A_141 = tpu.memref_slice %arg6[%dma_wait3A_140] : memref<10240xf32, #tpu.memory_space<vmem>> -> memref<10000xf32, #tpu.memory_space<vmem>>
      %dma_wait3A_142 = arith.constant 0 : i32
      %dma_wait3A_143 = tpu.memref_slice %arg15[%dma_wait3A_142] : memref<10240xf32, #tpu.memory_space<vmem_shared>> -> memref<10000xf32, #tpu.memory_space<vmem_shared>>
      %dma_wait3A_144 = arith.constant 0 : i32
      %dma_wait3A_145 = tpu.memref_slice %arg6[%dma_wait3A_144] : memref<10240xf32, #tpu.memory_space<vmem>> -> memref<10000xf32, #tpu.memory_space<vmem>>
      %dma_wait3A_146 = arith.constant 0 : i32
      %dma_wait3A_147 = tpu.memref_slice %arg15[%dma_wait3A_146] : memref<10240xf32, #tpu.memory_space<vmem_shared>> -> memref<10000xf32, #tpu.memory_space<vmem_shared>>
      tpu.wait_dma2 semaphore(%run_scoped3A : memref<!tpu.dma_semaphore, #tpu.memory_space<semaphore_mem>>) src(%dma_wait3A_147 : memref<10000xf32, #tpu.memory_space<vmem_shared>>) dst(%dma_wait3A_145 : memref<10000xf32, #tpu.memory_space<vmem>>)
      tpu.yield
    }) : () -> ()
    %dma_wait3A = arith.constant 0 : i32
    %dma_wait3A_66 = arith.constant 0 : i32
    %dma_wait3A_67 = tpu.memref_slice %arg7[%dma_wait3A_66] : memref<10112xi32, #tpu.memory_space<vmem>> -> memref<9984xi32, #tpu.memory_space<vmem>>
    %dma_wait3A_68 = tpu.memref_slice %arg2[%dma_wait3A, %mul3A_9] : memref<2x320000xi32, #tpu.memory_space<hbm>> -> memref<1x9984xi32, #tpu.memory_space<hbm>>
    %dma_wait3A_69 = tpu.memref_squeeze %dma_wait3A_68 : memref<1x9984xi32, #tpu.memory_space<hbm>> -> memref<9984xi32, #tpu.memory_space<hbm>>
    %dma_wait3A_70 = arith.constant 0 : i32
    %dma_wait3A_71 = tpu.memref_slice %arg7[%dma_wait3A_70] : memref<10112xi32, #tpu.memory_space<vmem>> -> memref<9984xi32, #tpu.memory_space<vmem>>
    %dma_wait3A_72 = tpu.memref_slice %arg2[%dma_wait3A, %mul3A_9] : memref<2x320000xi32, #tpu.memory_space<hbm>> -> memref<1x9984xi32, #tpu.memory_space<hbm>>
    %dma_wait3A_73 = tpu.memref_squeeze %dma_wait3A_72 : memref<1x9984xi32, #tpu.memory_space<hbm>> -> memref<9984xi32, #tpu.memory_space<hbm>>
    tpu.wait_dma2 semaphore(%arg17 : memref<!tpu.dma_semaphore, #tpu.memory_space<semaphore_mem>>) src(%dma_wait3A_73 : memref<9984xi32, #tpu.memory_space<hbm>>) dst(%dma_wait3A_71 : memref<9984xi32, #tpu.memory_space<vmem>>)
    %dma_wait3A_74 = arith.constant 1 : i32
    %dma_wait3A_75 = arith.constant 0 : i32
    %dma_wait3A_76 = tpu.memref_slice %arg8[%dma_wait3A_75] : memref<10112xi32, #tpu.memory_space<vmem>> -> memref<9984xi32, #tpu.memory_space<vmem>>
    %dma_wait3A_77 = tpu.memref_slice %arg2[%dma_wait3A_74, %mul3A_19] : memref<2x320000xi32, #tpu.memory_space<hbm>> -> memref<1x9984xi32, #tpu.memory_space<hbm>>
    %dma_wait3A_78 = tpu.memref_squeeze %dma_wait3A_77 : memref<1x9984xi32, #tpu.memory_space<hbm>> -> memref<9984xi32, #tpu.memory_space<hbm>>
    %dma_wait3A_79 = arith.constant 0 : i32
    %dma_wait3A_80 = tpu.memref_slice %arg8[%dma_wait3A_79] : memref<10112xi32, #tpu.memory_space<vmem>> -> memref<9984xi32, #tpu.memory_space<vmem>>
    %dma_wait3A_81 = tpu.memref_slice %arg2[%dma_wait3A_74, %mul3A_19] : memref<2x320000xi32, #tpu.memory_space<hbm>> -> memref<1x9984xi32, #tpu.memory_space<hbm>>
    %dma_wait3A_82 = tpu.memref_squeeze %dma_wait3A_81 : memref<1x9984xi32, #tpu.memory_space<hbm>> -> memref<9984xi32, #tpu.memory_space<hbm>>
    tpu.wait_dma2 semaphore(%arg17 : memref<!tpu.dma_semaphore, #tpu.memory_space<semaphore_mem>>) src(%dma_wait3A_82 : memref<9984xi32, #tpu.memory_space<hbm>>) dst(%dma_wait3A_80 : memref<9984xi32, #tpu.memory_space<vmem>>)
    %scan3A_83 = arith.constant 0 : i32
    %scan3A_84 = arith.constant 0 : i32
    %scan3A_85 = arith.constant 78 : i32
    %scan3A_86 = arith.addi %scan3A_84, %scan3A_85 : i32
    %scan3A_87 = arith.constant 1 : i32
    scf.for %scan3A_132 = %scan3A_84 to %scan3A_86 step %scan3A_87  : i32 {
      %mul3A_133 = arith.constant 128 : i32
      %mul3A_134 = arith.muli %scan3A_132, %mul3A_133 : i32
      %add3A_135 = arith.constant 0 : i32
      %add3A_136 = arith.addi %mul3A_134, %add3A_135 : i32
      %get3A = arith.index_cast %add3A_136 : i32 to index
      %get3A_137 = tpu.vector_load %arg7[%get3A] {strides = array<i32>} : memref<10112xi32, #tpu.memory_space<vmem>>, vector<16xi32>,
      %gather3A = tpu.vector_load_idx %arg6[%get3A_137] : memref<10240xf32, #tpu.memory_space<vmem>>[vector<16xi32>], vector<16xf32>,
      %add3A_138 = arith.constant 0 : i32
      %add3A_139 = arith.addi %mul3A_134, %add3A_138 : i32
      %swap3A = arith.index_cast %add3A_139 : i32 to index
      %swap3A_140 = tpu.vector_load %arg9[%swap3A] {strides = array<i32>} : memref<10112xf32, #tpu.memory_space<vmem>>, vector<16xf32>,
      tpu.vector_store %arg9[%swap3A], %gather3A {strides = array<i32>} : memref<10112xf32, #tpu.memory_space<vmem>>, vector<16xf32>,
      %add3A_141 = arith.constant 16 : i32
      %add3A_142 = arith.addi %mul3A_134, %add3A_141 : i32
      %get3A_143 = arith.index_cast %add3A_142 : i32 to index
      %get3A_144 = tpu.vector_load %arg7[%get3A_143] {strides = array<i32>} : memref<10112xi32, #tpu.memory_space<vmem>>, vector<16xi32>,
      %gather3A_145 = tpu.vector_load_idx %arg6[%get3A_144] : memref<10240xf32, #tpu.memory_space<vmem>>[vector<16xi32>], vector<16xf32>,
      %add3A_146 = arith.constant 16 : i32
      %add3A_147 = arith.addi %mul3A_134, %add3A_146 : i32
      %swap3A_148 = arith.index_cast %add3A_147 : i32 to index
      %swap3A_149 = tpu.vector_load %arg9[%swap3A_148] {strides = array<i32>} : memref<10112xf32, #tpu.memory_space<vmem>>, vector<16xf32>,
      tpu.vector_store %arg9[%swap3A_148], %gather3A_145 {strides = array<i32>} : memref<10112xf32, #tpu.memory_space<vmem>>, vector<16xf32>,
      %add3A_150 = arith.constant 32 : i32
      %add3A_151 = arith.addi %mul3A_134, %add3A_150 : i32
      %get3A_152 = arith.index_cast %add3A_151 : i32 to index
      %get3A_153 = tpu.vector_load %arg7[%get3A_152] {strides = array<i32>} : memref<10112xi32, #tpu.memory_space<vmem>>, vector<16xi32>,
      %gather3A_154 = tpu.vector_load_idx %arg6[%get3A_153] : memref<10240xf32, #tpu.memory_space<vmem>>[vector<16xi32>], vector<16xf32>,
      %add3A_155 = arith.constant 32 : i32
      %add3A_156 = arith.addi %mul3A_134, %add3A_155 : i32
      %swap3A_157 = arith.index_cast %add3A_156 : i32 to index
      %swap3A_158 = tpu.vector_load %arg9[%swap3A_157] {strides = array<i32>} : memref<10112xf32, #tpu.memory_space<vmem>>, vector<16xf32>,
      tpu.vector_store %arg9[%swap3A_157], %gather3A_154 {strides = array<i32>} : memref<10112xf32, #tpu.memory_space<vmem>>, vector<16xf32>,
      %add3A_159 = arith.constant 48 : i32
      %add3A_160 = arith.addi %mul3A_134, %add3A_159 : i32
      %get3A_161 = arith.index_cast %add3A_160 : i32 to index
      %get3A_162 = tpu.vector_load %arg7[%get3A_161] {strides = array<i32>} : memref<10112xi32, #tpu.memory_space<vmem>>, vector<16xi32>,
      %gather3A_163 = tpu.vector_load_idx %arg6[%get3A_162] : memref<10240xf32, #tpu.memory_space<vmem>>[vector<16xi32>], vector<16xf32>,
      %add3A_164 = arith.constant 48 : i32
      %add3A_165 = arith.addi %mul3A_134, %add3A_164 : i32
      %swap3A_166 = arith.index_cast %add3A_165 : i32 to index
      %swap3A_167 = tpu.vector_load %arg9[%swap3A_166] {strides = array<i32>} : memref<10112xf32, #tpu.memory_space<vmem>>, vector<16xf32>,
      tpu.vector_store %arg9[%swap3A_166], %gather3A_163 {strides = array<i32>} : memref<10112xf32, #tpu.memory_space<vmem>>, vector<16xf32>,
      %add3A_168 = arith.constant 64 : i32
      %add3A_169 = arith.addi %mul3A_134, %add3A_168 : i32
      %get3A_170 = arith.index_cast %add3A_169 : i32 to index
      %get3A_171 = tpu.vector_load %arg7[%get3A_170] {strides = array<i32>} : memref<10112xi32, #tpu.memory_space<vmem>>, vector<16xi32>,
      %gather3A_172 = tpu.vector_load_idx %arg6[%get3A_171] : memref<10240xf32, #tpu.memory_space<vmem>>[vector<16xi32>], vector<16xf32>,
      %add3A_173 = arith.constant 64 : i32
      %add3A_174 = arith.addi %mul3A_134, %add3A_173 : i32
      %swap3A_175 = arith.index_cast %add3A_174 : i32 to index
      %swap3A_176 = tpu.vector_load %arg9[%swap3A_175] {strides = array<i32>} : memref<10112xf32, #tpu.memory_space<vmem>>, vector<16xf32>,
      tpu.vector_store %arg9[%swap3A_175], %gather3A_172 {strides = array<i32>} : memref<10112xf32, #tpu.memory_space<vmem>>, vector<16xf32>,
      %add3A_177 = arith.constant 80 : i32
      %add3A_178 = arith.addi %mul3A_134, %add3A_177 : i32
      %get3A_179 = arith.index_cast %add3A_178 : i32 to index
      %get3A_180 = tpu.vector_load %arg7[%get3A_179] {strides = array<i32>} : memref<10112xi32, #tpu.memory_space<vmem>>, vector<16xi32>,
      %gather3A_181 = tpu.vector_load_idx %arg6[%get3A_180] : memref<10240xf32, #tpu.memory_space<vmem>>[vector<16xi32>], vector<16xf32>,
      %add3A_182 = arith.constant 80 : i32
      %add3A_183 = arith.addi %mul3A_134, %add3A_182 : i32
      %swap3A_184 = arith.index_cast %add3A_183 : i32 to index
      %swap3A_185 = tpu.vector_load %arg9[%swap3A_184] {strides = array<i32>} : memref<10112xf32, #tpu.memory_space<vmem>>, vector<16xf32>,
      tpu.vector_store %arg9[%swap3A_184], %gather3A_181 {strides = array<i32>} : memref<10112xf32, #tpu.memory_space<vmem>>, vector<16xf32>,
      %add3A_186 = arith.constant 96 : i32
      %add3A_187 = arith.addi %mul3A_134, %add3A_186 : i32
      %get3A_188 = arith.index_cast %add3A_187 : i32 to index
      %get3A_189 = tpu.vector_load %arg7[%get3A_188] {strides = array<i32>} : memref<10112xi32, #tpu.memory_space<vmem>>, vector<16xi32>,
      %gather3A_190 = tpu.vector_load_idx %arg6[%get3A_189] : memref<10240xf32, #tpu.memory_space<vmem>>[vector<16xi32>], vector<16xf32>,
      %add3A_191 = arith.constant 96 : i32
      %add3A_192 = arith.addi %mul3A_134, %add3A_191 : i32
      %swap3A_193 = arith.index_cast %add3A_192 : i32 to index
      %swap3A_194 = tpu.vector_load %arg9[%swap3A_193] {strides = array<i32>} : memref<10112xf32, #tpu.memory_space<vmem>>, vector<16xf32>,
      tpu.vector_store %arg9[%swap3A_193], %gather3A_190 {strides = array<i32>} : memref<10112xf32, #tpu.memory_space<vmem>>, vector<16xf32>,
      %add3A_195 = arith.constant 112 : i32
      %add3A_196 = arith.addi %mul3A_134, %add3A_195 : i32
      %get3A_197 = arith.index_cast %add3A_196 : i32 to index
      %get3A_198 = tpu.vector_load %arg7[%get3A_197] {strides = array<i32>} : memref<10112xi32, #tpu.memory_space<vmem>>, vector<16xi32>,
      %gather3A_199 = tpu.vector_load_idx %arg6[%get3A_198] : memref<10240xf32, #tpu.memory_space<vmem>>[vector<16xi32>], vector<16xf32>,
      %add3A_200 = arith.constant 112 : i32
      %add3A_201 = arith.addi %mul3A_134, %add3A_200 : i32
      %swap3A_202 = arith.index_cast %add3A_201 : i32 to index
      %swap3A_203 = tpu.vector_load %arg9[%swap3A_202] {strides = array<i32>} : memref<10112xf32, #tpu.memory_space<vmem>>, vector<16xf32>,
      tpu.vector_store %arg9[%swap3A_202], %gather3A_199 {strides = array<i32>} : memref<10112xf32, #tpu.memory_space<vmem>>, vector<16xf32>,
      %dma_start3A_204 = tpu.memref_slice %arg9[%mul3A_134] : memref<10112xf32, #tpu.memory_space<vmem>> -> memref<128xf32, #tpu.memory_space<vmem>>
      %dma_start3A_205 = tpu.memref_slice %arg8[%mul3A_134] : memref<10112xi32, #tpu.memory_space<vmem>> -> memref<128xi32, #tpu.memory_space<vmem>>
      %dma_start3A_206 = arith.constant 0 : i32
      %dma_start3A_207 = tpu.memref_slice %arg14[%dma_start3A_206] : memref<10240xf32, #tpu.memory_space<vmem_shared>> -> memref<10240xf32, #tpu.memory_space<vmem_shared>>
      tpu.enqueue_indirect_dma source(%dma_start3A_204 : memref<128xf32, #tpu.memory_space<vmem>>) target(%dma_start3A_207 : memref<10240xf32, #tpu.memory_space<vmem_shared>>) offsets(%dma_start3A_205 : memref<128xi32, #tpu.memory_space<vmem>>) semaphore(%arg16 : memref<!tpu.dma_semaphore, #tpu.memory_space<semaphore_mem>>) {add = true}
    }
    %scan3A_88 = arith.constant 78 : i32
    %lt3A_89 = arith.constant 4 : i32
    %lt3A_90 = arith.cmpi slt, %add3A, %lt3A_89 : i32
    %convert_element_type3A_91 = arith.extui %lt3A_90 : i1 to i32
    %cond3A_92 = arith.constant 0 : i32
    %cond3A_93 = arith.cmpi ne, %convert_element_type3A_91, %cond3A_92 : i32
    scf.if %cond3A_93 {
      %get3A = arith.constant 9984 : index
      %get3A_132 = tpu.vector_load %arg7[%get3A] {strides = array<i32>} : memref<10112xi32, #tpu.memory_space<vmem>>, vector<16xi32>,
      %gather3A = tpu.vector_load_idx %arg6[%get3A_132] : memref<10240xf32, #tpu.memory_space<vmem>>[vector<16xi32>], vector<16xf32>,
      %swap3A = arith.constant 9984 : index
      %swap3A_133 = tpu.vector_load %arg9[%swap3A] {strides = array<i32>} : memref<10112xf32, #tpu.memory_space<vmem>>, vector<16xf32>,
      tpu.vector_store %arg9[%swap3A], %gather3A {strides = array<i32>} : memref<10112xf32, #tpu.memory_space<vmem>>, vector<16xf32>,
      %get3A_134 = arith.constant 10000 : index
      %get3A_135 = tpu.vector_load %arg7[%get3A_134] {strides = array<i32>} : memref<10112xi32, #tpu.memory_space<vmem>>, vector<16xi32>,
      %gather3A_136 = tpu.vector_load_idx %arg6[%get3A_135] : memref<10240xf32, #tpu.memory_space<vmem>>[vector<16xi32>], vector<16xf32>,
      %swap3A_137 = arith.constant 10000 : index
      %swap3A_138 = tpu.vector_load %arg9[%swap3A_137] {strides = array<i32>} : memref<10112xf32, #tpu.memory_space<vmem>>, vector<16xf32>,
      tpu.vector_store %arg9[%swap3A_137], %gather3A_136 {strides = array<i32>} : memref<10112xf32, #tpu.memory_space<vmem>>, vector<16xf32>,
      %get3A_139 = arith.constant 10016 : index
      %get3A_140 = tpu.vector_load %arg7[%get3A_139] {strides = array<i32>} : memref<10112xi32, #tpu.memory_space<vmem>>, vector<16xi32>,
      %gather3A_141 = tpu.vector_load_idx %arg6[%get3A_140] : memref<10240xf32, #tpu.memory_space<vmem>>[vector<16xi32>], vector<16xf32>,
      %swap3A_142 = arith.constant 10016 : index
      %swap3A_143 = tpu.vector_load %arg9[%swap3A_142] {strides = array<i32>} : memref<10112xf32, #tpu.memory_space<vmem>>, vector<16xf32>,
      tpu.vector_store %arg9[%swap3A_142], %gather3A_141 {strides = array<i32>} : memref<10112xf32, #tpu.memory_space<vmem>>, vector<16xf32>,
      %get3A_144 = arith.constant 10032 : index
      %get3A_145 = tpu.vector_load %arg7[%get3A_144] {strides = array<i32>} : memref<10112xi32, #tpu.memory_space<vmem>>, vector<16xi32>,
      %gather3A_146 = tpu.vector_load_idx %arg6[%get3A_145] : memref<10240xf32, #tpu.memory_space<vmem>>[vector<16xi32>], vector<16xf32>,
      %swap3A_147 = arith.constant 10032 : index
      %swap3A_148 = tpu.vector_load %arg9[%swap3A_147] {strides = array<i32>} : memref<10112xf32, #tpu.memory_space<vmem>>, vector<16xf32>,
      tpu.vector_store %arg9[%swap3A_147], %gather3A_146 {strides = array<i32>} : memref<10112xf32, #tpu.memory_space<vmem>>, vector<16xf32>,
      %get3A_149 = arith.constant 10048 : index
      %get3A_150 = tpu.vector_load %arg7[%get3A_149] {strides = array<i32>} : memref<10112xi32, #tpu.memory_space<vmem>>, vector<16xi32>,
      %gather3A_151 = tpu.vector_load_idx %arg6[%get3A_150] : memref<10240xf32, #tpu.memory_space<vmem>>[vector<16xi32>], vector<16xf32>,
      %swap3A_152 = arith.constant 10048 : index
      %swap3A_153 = tpu.vector_load %arg9[%swap3A_152] {strides = array<i32>} : memref<10112xf32, #tpu.memory_space<vmem>>, vector<16xf32>,
      tpu.vector_store %arg9[%swap3A_152], %gather3A_151 {strides = array<i32>} : memref<10112xf32, #tpu.memory_space<vmem>>, vector<16xf32>,
      %get3A_154 = arith.constant 10064 : index
      %get3A_155 = tpu.vector_load %arg7[%get3A_154] {strides = array<i32>} : memref<10112xi32, #tpu.memory_space<vmem>>, vector<16xi32>,
      %gather3A_156 = tpu.vector_load_idx %arg6[%get3A_155] : memref<10240xf32, #tpu.memory_space<vmem>>[vector<16xi32>], vector<16xf32>,
      %swap3A_157 = arith.constant 10064 : index
      %swap3A_158 = tpu.vector_load %arg9[%swap3A_157] {strides = array<i32>} : memref<10112xf32, #tpu.memory_space<vmem>>, vector<16xf32>,
      tpu.vector_store %arg9[%swap3A_157], %gather3A_156 {strides = array<i32>} : memref<10112xf32, #tpu.memory_space<vmem>>, vector<16xf32>,
      %get3A_159 = arith.constant 10080 : index
      %get3A_160 = tpu.vector_load %arg7[%get3A_159] {strides = array<i32>} : memref<10112xi32, #tpu.memory_space<vmem>>, vector<16xi32>,
      %gather3A_161 = tpu.vector_load_idx %arg6[%get3A_160] : memref<10240xf32, #tpu.memory_space<vmem>>[vector<16xi32>], vector<16xf32>,
      %swap3A_162 = arith.constant 10080 : index
      %swap3A_163 = tpu.vector_load %arg9[%swap3A_162] {strides = array<i32>} : memref<10112xf32, #tpu.memory_space<vmem>>, vector<16xf32>,
      tpu.vector_store %arg9[%swap3A_162], %gather3A_161 {strides = array<i32>} : memref<10112xf32, #tpu.memory_space<vmem>>, vector<16xf32>,
      %get3A_164 = arith.constant 10096 : index
      %get3A_165 = tpu.vector_load %arg7[%get3A_164] {strides = array<i32>} : memref<10112xi32, #tpu.memory_space<vmem>>, vector<16xi32>,
      %gather3A_166 = tpu.vector_load_idx %arg6[%get3A_165] : memref<10240xf32, #tpu.memory_space<vmem>>[vector<16xi32>], vector<16xf32>,
      %swap3A_167 = arith.constant 10096 : index
      %swap3A_168 = tpu.vector_load %arg9[%swap3A_167] {strides = array<i32>} : memref<10112xf32, #tpu.memory_space<vmem>>, vector<16xf32>,
      tpu.vector_store %arg9[%swap3A_167], %gather3A_166 {strides = array<i32>} : memref<10112xf32, #tpu.memory_space<vmem>>, vector<16xf32>,
      %dma_start3A_169 = arith.constant 9984 : i32
      %dma_start3A_170 = tpu.memref_slice %arg9[%dma_start3A_169] : memref<10112xf32, #tpu.memory_space<vmem>> -> memref<128xf32, #tpu.memory_space<vmem>>
      %dma_start3A_171 = arith.constant 9984 : i32
      %dma_start3A_172 = tpu.memref_slice %arg8[%dma_start3A_171] : memref<10112xi32, #tpu.memory_space<vmem>> -> memref<128xi32, #tpu.memory_space<vmem>>
      %dma_start3A_173 = arith.constant 0 : i32
      %dma_start3A_174 = tpu.memref_slice %arg14[%dma_start3A_173] : memref<10240xf32, #tpu.memory_space<vmem_shared>> -> memref<10240xf32, #tpu.memory_space<vmem_shared>>
      tpu.enqueue_indirect_dma source(%dma_start3A_170 : memref<128xf32, #tpu.memory_space<vmem>>) target(%dma_start3A_174 : memref<10240xf32, #tpu.memory_space<vmem_shared>>) offsets(%dma_start3A_172 : memref<128xi32, #tpu.memory_space<vmem>>) semaphore(%arg16 : memref<!tpu.dma_semaphore, #tpu.memory_space<semaphore_mem>>) {add = true}
    } else {
    }
    %scan3A_94 = arith.constant 0 : i32
    %scan3A_95 = arith.constant 0 : i32
    %scan3A_96 = arith.constant 78 : i32
    %scan3A_97 = arith.addi %scan3A_95, %scan3A_96 : i32
    %scan3A_98 = arith.constant 1 : i32
    scf.for %scan3A_132 = %scan3A_95 to %scan3A_97 step %scan3A_98  : i32 {
      %dma_wait3A_133 = arith.constant 0 : i32
      %dma_wait3A_134 = tpu.memref_slice %arg9[%dma_wait3A_133] : memref<10112xf32, #tpu.memory_space<vmem>> -> memref<128xf32, #tpu.memory_space<vmem>>
      %dma_wait3A_135 = arith.constant 0 : i32
      %dma_wait3A_136 = tpu.memref_slice %arg8[%dma_wait3A_135] : memref<10112xi32, #tpu.memory_space<vmem>> -> memref<128xi32, #tpu.memory_space<vmem>>
      %dma_wait3A_137 = arith.constant 0 : i32
      %dma_wait3A_138 = tpu.memref_slice %arg14[%dma_wait3A_137] : memref<10240xf32, #tpu.memory_space<vmem_shared>> -> memref<10240xf32, #tpu.memory_space<vmem_shared>>
      tpu.wait_indirect_dma semaphore(%arg16 : memref<!tpu.dma_semaphore, #tpu.memory_space<semaphore_mem>>) src(%dma_wait3A_134 : memref<128xf32, #tpu.memory_space<vmem>>) dst(%dma_wait3A_138 : memref<10240xf32, #tpu.memory_space<vmem_shared>>)
    }
    %scan3A_99 = arith.constant 78 : i32
    %lt3A_100 = arith.constant 4 : i32
    %lt3A_101 = arith.cmpi slt, %add3A, %lt3A_100 : i32
    %convert_element_type3A_102 = arith.extui %lt3A_101 : i1 to i32
    %cond3A_103 = arith.constant 0 : i32
    %cond3A_104 = arith.cmpi ne, %convert_element_type3A_102, %cond3A_103 : i32
    scf.if %cond3A_104 {
      %dma_wait3A_132 = arith.constant 0 : i32
      %dma_wait3A_133 = tpu.memref_slice %arg9[%dma_wait3A_132] : memref<10112xf32, #tpu.memory_space<vmem>> -> memref<128xf32, #tpu.memory_space<vmem>>
      %dma_wait3A_134 = arith.constant 0 : i32
      %dma_wait3A_135 = tpu.memref_slice %arg8[%dma_wait3A_134] : memref<10112xi32, #tpu.memory_space<vmem>> -> memref<128xi32, #tpu.memory_space<vmem>>
      %dma_wait3A_136 = arith.constant 0 : i32
      %dma_wait3A_137 = tpu.memref_slice %arg14[%dma_wait3A_136] : memref<10240xf32, #tpu.memory_space<vmem_shared>> -> memref<10240xf32, #tpu.memory_space<vmem_shared>>
      tpu.wait_indirect_dma semaphore(%arg16 : memref<!tpu.dma_semaphore, #tpu.memory_space<semaphore_mem>>) src(%dma_wait3A_133 : memref<128xf32, #tpu.memory_space<vmem>>) dst(%dma_wait3A_137 : memref<10240xf32, #tpu.memory_space<vmem_shared>>)
    } else {
    }
    %barrier3A_105 = arith.constant 0 : index
    tpu.barrier barrier_id(%barrier3A_105)
    %lt3A_106 = arith.constant 15 : i32
    %lt3A_107 = arith.cmpi slt, %arg1, %lt3A_106 : i32
    %convert_element_type3A_108 = arith.extui %lt3A_107 : i1 to i32
    %cond3A_109 = arith.constant 0 : i32
    %cond3A_110 = arith.cmpi ne, %convert_element_type3A_108, %cond3A_109 : i32
    scf.if %cond3A_110 {
      "tpu.region"() ({
        %run_scoped3A = tpu.sem_alloc : memref<!tpu.dma_semaphore, #tpu.memory_space<semaphore_mem>>
        %dma_start3A_132 = tpu.memref_slice %arg14[%mul3A_33] : memref<10240xf32, #tpu.memory_space<vmem_shared>> -> memref<640xf32, #tpu.memory_space<vmem_shared>>
        %dma_start3A_133 = tpu.memref_slice %arg14[%mul3A_33] : memref<10240xf32, #tpu.memory_space<vmem_shared>> -> memref<640xf32, #tpu.memory_space<vmem_shared>>
        tpu.enqueue_dma source(%dma_start3A_133 : memref<640xf32, #tpu.memory_space<vmem_shared>>) target(%arg11 : memref<640xf32, #tpu.memory_space<vmem>>) target_semaphore(%run_scoped3A : memref<!tpu.dma_semaphore, #tpu.memory_space<semaphore_mem>>)
        %dma_wait3A_134 = tpu.memref_slice %arg14[%mul3A_33] : memref<10240xf32, #tpu.memory_space<vmem_shared>> -> memref<640xf32, #tpu.memory_space<vmem_shared>>
        %dma_wait3A_135 = tpu.memref_slice %arg14[%mul3A_33] : memref<10240xf32, #tpu.memory_space<vmem_shared>> -> memref<640xf32, #tpu.memory_space<vmem_shared>>
        tpu.wait_dma2 semaphore(%run_scoped3A : memref<!tpu.dma_semaphore, #tpu.memory_space<semaphore_mem>>) src(%dma_wait3A_135 : memref<640xf32, #tpu.memory_space<vmem_shared>>) dst(%arg11 : memref<640xf32, #tpu.memory_space<vmem>>)
        tpu.yield
      }) : () -> ()
    } else {
    }
    %eq3A_111 = arith.constant 15 : i32
    %eq3A_112 = arith.cmpi eq, %arg1, %eq3A_111 : i32
    %convert_element_type3A_113 = arith.extui %eq3A_112 : i1 to i32
    %cond3A_114 = arith.constant 0 : i32
    %cond3A_115 = arith.cmpi ne, %convert_element_type3A_113, %cond3A_114 : i32
    scf.if %cond3A_115 {
      "tpu.region"() ({
        %run_scoped3A = tpu.sem_alloc : memref<!tpu.dma_semaphore, #tpu.memory_space<semaphore_mem>>
        %dma_start3A_132 = arith.constant 0 : i32
        %dma_start3A_133 = tpu.memref_slice %arg11[%dma_start3A_132] : memref<640xf32, #tpu.memory_space<vmem>> -> memref<400xf32, #tpu.memory_space<vmem>>
        %dma_start3A_134 = tpu.memref_slice %arg14[%mul3A_33] : memref<10240xf32, #tpu.memory_space<vmem_shared>> -> memref<400xf32, #tpu.memory_space<vmem_shared>>
        %dma_start3A_135 = arith.constant 0 : i32
        %dma_start3A_136 = tpu.memref_slice %arg11[%dma_start3A_135] : memref<640xf32, #tpu.memory_space<vmem>> -> memref<400xf32, #tpu.memory_space<vmem>>
        %dma_start3A_137 = tpu.memref_slice %arg14[%mul3A_33] : memref<10240xf32, #tpu.memory_space<vmem_shared>> -> memref<400xf32, #tpu.memory_space<vmem_shared>>
        tpu.enqueue_dma source(%dma_start3A_137 : memref<400xf32, #tpu.memory_space<vmem_shared>>) target(%dma_start3A_136 : memref<400xf32, #tpu.memory_space<vmem>>) target_semaphore(%run_scoped3A : memref<!tpu.dma_semaphore, #tpu.memory_space<semaphore_mem>>)
        %dma_wait3A_138 = arith.constant 0 : i32
        %dma_wait3A_139 = tpu.memref_slice %arg11[%dma_wait3A_138] : memref<640xf32, #tpu.memory_space<vmem>> -> memref<400xf32, #tpu.memory_space<vmem>>
        %dma_wait3A_140 = tpu.memref_slice %arg14[%mul3A_33] : memref<10240xf32, #tpu.memory_space<vmem_shared>> -> memref<400xf32, #tpu.memory_space<vmem_shared>>
        %dma_wait3A_141 = arith.constant 0 : i32
        %dma_wait3A_142 = tpu.memref_slice %arg11[%dma_wait3A_141] : memref<640xf32, #tpu.memory_space<vmem>> -> memref<400xf32, #tpu.memory_space<vmem>>
        %dma_wait3A_143 = tpu.memref_slice %arg14[%mul3A_33] : memref<10240xf32, #tpu.memory_space<vmem_shared>> -> memref<400xf32, #tpu.memory_space<vmem_shared>>
        tpu.wait_dma2 semaphore(%run_scoped3A : memref<!tpu.dma_semaphore, #tpu.memory_space<semaphore_mem>>) src(%dma_wait3A_143 : memref<400xf32, #tpu.memory_space<vmem_shared>>) dst(%dma_wait3A_142 : memref<400xf32, #tpu.memory_space<vmem>>)
        tpu.yield
      }) : () -> ()
    } else {
    }
    %scan3A_116 = arith.constant 0 : i32
    %scan3A_117 = arith.constant 0 : i32
    %scan3A_118 = arith.constant 40 : i32
    %scan3A_119 = arith.addi %scan3A_117, %scan3A_118 : i32
    %scan3A_120 = arith.constant 1 : i32
    scf.for %scan3A_132 = %scan3A_117 to %scan3A_119 step %scan3A_120  : i32 {
      %mul3A_133 = arith.constant 16 : i32
      %mul3A_134 = arith.muli %scan3A_132, %mul3A_133 : i32
      %get3A = arith.index_cast %mul3A_134 : i32 to index
      %get3A_135 = tpu.vector_load %arg13[%get3A] {strides = array<i32>} : memref<640xf32, #tpu.memory_space<vmem>>, vector<16xf32>,
      %get3A_136 = arith.index_cast %mul3A_134 : i32 to index
      %get3A_137 = tpu.vector_load %arg10[%get3A_136] {strides = array<i32>} : memref<640xf32, #tpu.memory_space<vmem>>, vector<16xf32>,
      %mul3A_138 = arith.constant 5.000000e-01 : f32
      %mul3A_139 = vector.broadcast %mul3A_138 : f32 to vector<16xf32>
      %mul3A_140 = arith.mulf %mul3A_139, %get3A_137 : vector<16xf32>
      %get3A_141 = arith.index_cast %mul3A_134 : i32 to index
      %get3A_142 = tpu.vector_load %arg11[%get3A_141] {strides = array<i32>} : memref<640xf32, #tpu.memory_space<vmem>>, vector<16xf32>,
      %add3A_143 = arith.addf %mul3A_140, %get3A_142 : vector<16xf32>
      %mul3A_144 = arith.mulf %get3A_135, %add3A_143 : vector<16xf32>
      %swap3A = arith.index_cast %mul3A_134 : i32 to index
      %swap3A_145 = tpu.vector_load %arg11[%swap3A] {strides = array<i32>} : memref<640xf32, #tpu.memory_space<vmem>>, vector<16xf32>,
      tpu.vector_store %arg11[%swap3A], %mul3A_144 {strides = array<i32>} : memref<640xf32, #tpu.memory_space<vmem>>, vector<16xf32>,
    }
    %scan3A_121 = arith.constant 40 : i32
    %lt3A_122 = arith.constant 15 : i32
    %lt3A_123 = arith.cmpi slt, %arg1, %lt3A_122 : i32
    %convert_element_type3A_124 = arith.extui %lt3A_123 : i1 to i32
    %cond3A_125 = arith.constant 0 : i32
    %cond3A_126 = arith.cmpi ne, %convert_element_type3A_124, %cond3A_125 : i32
    scf.if %cond3A_126 {
      "tpu.region"() ({
        %run_scoped3A = tpu.sem_alloc : memref<!tpu.dma_semaphore, #tpu.memory_space<semaphore_mem>>
        %dma_start3A_132 = tpu.memref_slice %arg5[%arg0, %mul3A_33] : memref<2x10000xf32, #tpu.memory_space<hbm>> -> memref<1x640xf32, #tpu.memory_space<hbm>>
        %dma_start3A_133 = tpu.memref_squeeze %dma_start3A_132 : memref<1x640xf32, #tpu.memory_space<hbm>> -> memref<640xf32, #tpu.memory_space<hbm>>
        %dma_start3A_134 = tpu.memref_slice %arg5[%arg0, %mul3A_33] : memref<2x10000xf32, #tpu.memory_space<hbm>> -> memref<1x640xf32, #tpu.memory_space<hbm>>
        %dma_start3A_135 = tpu.memref_squeeze %dma_start3A_134 : memref<1x640xf32, #tpu.memory_space<hbm>> -> memref<640xf32, #tpu.memory_space<hbm>>
        tpu.enqueue_dma source(%arg11 : memref<640xf32, #tpu.memory_space<vmem>>) target(%dma_start3A_135 : memref<640xf32, #tpu.memory_space<hbm>>) target_semaphore(%run_scoped3A : memref<!tpu.dma_semaphore, #tpu.memory_space<semaphore_mem>>)
        %dma_wait3A_136 = tpu.memref_slice %arg5[%arg0, %mul3A_33] : memref<2x10000xf32, #tpu.memory_space<hbm>> -> memref<1x640xf32, #tpu.memory_space<hbm>>
        %dma_wait3A_137 = tpu.memref_squeeze %dma_wait3A_136 : memref<1x640xf32, #tpu.memory_space<hbm>> -> memref<640xf32, #tpu.memory_space<hbm>>
        %dma_wait3A_138 = tpu.memref_slice %arg5[%arg0, %mul3A_33] : memref<2x10000xf32, #tpu.memory_space<hbm>> -> memref<1x640xf32, #tpu.memory_space<hbm>>
        %dma_wait3A_139 = tpu.memref_squeeze %dma_wait3A_138 : memref<1x640xf32, #tpu.memory_space<hbm>> -> memref<640xf32, #tpu.memory_space<hbm>>
        tpu.wait_dma2 semaphore(%run_scoped3A : memref<!tpu.dma_semaphore, #tpu.memory_space<semaphore_mem>>) src(%arg11 : memref<640xf32, #tpu.memory_space<vmem>>) dst(%dma_wait3A_139 : memref<640xf32, #tpu.memory_space<hbm>>)
        tpu.yield
      }) : () -> ()
    } else {
    }
    %eq3A_127 = arith.constant 15 : i32
    %eq3A_128 = arith.cmpi eq, %arg1, %eq3A_127 : i32
    %convert_element_type3A_129 = arith.extui %eq3A_128 : i1 to i32
    %cond3A_130 = arith.constant 0 : i32
    %cond3A_131 = arith.cmpi ne, %convert_element_type3A_129, %cond3A_130 : i32
    scf.if %cond3A_131 {
      "tpu.region"() ({
        %run_scoped3A = tpu.sem_alloc : memref<!tpu.dma_semaphore, #tpu.memory_space<semaphore_mem>>
        %dma_start3A_132 = arith.constant 0 : i32
        %dma_start3A_133 = tpu.memref_slice %arg11[%dma_start3A_132] : memref<640xf32, #tpu.memory_space<vmem>> -> memref<400xf32, #tpu.memory_space<vmem>>
        %dma_start3A_134 = tpu.memref_slice %arg5[%arg0, %mul3A_33] : memref<2x10000xf32, #tpu.memory_space<hbm>> -> memref<1x400xf32, #tpu.memory_space<hbm>>
        %dma_start3A_135 = tpu.memref_squeeze %dma_start3A_134 : memref<1x400xf32, #tpu.memory_space<hbm>> -> memref<400xf32, #tpu.memory_space<hbm>>
        %dma_start3A_136 = tpu.memref_slice %arg5[%arg0, %mul3A_33] : memref<2x10000xf32, #tpu.memory_space<hbm>> -> memref<1x400xf32, #tpu.memory_space<hbm>>
        %dma_start3A_137 = tpu.memref_squeeze %dma_start3A_136 : memref<1x400xf32, #tpu.memory_space<hbm>> -> memref<400xf32, #tpu.memory_space<hbm>>
        %dma_start3A_138 = arith.constant 0 : i32
        %dma_start3A_139 = tpu.memref_slice %arg11[%dma_start3A_138] : memref<640xf32, #tpu.memory_space<vmem>> -> memref<400xf32, #tpu.memory_space<vmem>>
        tpu.enqueue_dma source(%dma_start3A_139 : memref<400xf32, #tpu.memory_space<vmem>>) target(%dma_start3A_137 : memref<400xf32, #tpu.memory_space<hbm>>) target_semaphore(%run_scoped3A : memref<!tpu.dma_semaphore, #tpu.memory_space<semaphore_mem>>)
        %dma_wait3A_140 = arith.constant 0 : i32
        %dma_wait3A_141 = tpu.memref_slice %arg11[%dma_wait3A_140] : memref<640xf32, #tpu.memory_space<vmem>> -> memref<400xf32, #tpu.memory_space<vmem>>
        %dma_wait3A_142 = tpu.memref_slice %arg5[%arg0, %mul3A_33] : memref<2x10000xf32, #tpu.memory_space<hbm>> -> memref<1x400xf32, #tpu.memory_space<hbm>>
        %dma_wait3A_143 = tpu.memref_squeeze %dma_wait3A_142 : memref<1x400xf32, #tpu.memory_space<hbm>> -> memref<400xf32, #tpu.memory_space<hbm>>
        %dma_wait3A_144 = tpu.memref_slice %arg5[%arg0, %mul3A_33] : memref<2x10000xf32, #tpu.memory_space<hbm>> -> memref<1x400xf32, #tpu.memory_space<hbm>>
        %dma_wait3A_145 = tpu.memref_squeeze %dma_wait3A_144 : memref<1x400xf32, #tpu.memory_space<hbm>> -> memref<400xf32, #tpu.memory_space<hbm>>
        %dma_wait3A_146 = arith.constant 0 : i32
        %dma_wait3A_147 = tpu.memref_slice %arg11[%dma_wait3A_146] : memref<640xf32, #tpu.memory_space<vmem>> -> memref<400xf32, #tpu.memory_space<vmem>>
        tpu.wait_dma2 semaphore(%run_scoped3A : memref<!tpu.dma_semaphore, #tpu.memory_space<semaphore_mem>>) src(%dma_wait3A_147 : memref<400xf32, #tpu.memory_space<vmem>>) dst(%dma_wait3A_145 : memref<400xf32, #tpu.memory_space<hbm>>)
        tpu.yield
      }) : () -> ()
    } else {
    }
    return
  }
}

module attributes {stable_mosaic.version = 14 : i64} {
  func.func @_matvec_body(%arg0: memref<625x16x128xf32, #tpu.memory_space<vmem>>, %arg1: memref<1x1x128xf32, #tpu.memory_space<vmem>>, %arg2: memref<625x16xf32, #tpu.memory_space<vmem>>) attributes {dimension_semantics = [], scalar_prefetch = 0 : i64, scratch_operands = 0 : i64, tpu.core_type = #tpu.core_type<tc>} {
    %get3A = arith.constant 0 : index
    %get3A_0 = arith.constant 0 : index
    %get3A_1 = arith.constant 0 : index
    %get3A_2 = vector.load %arg0[%get3A, %get3A_0, %get3A_1] : memref<625x16x128xf32, #tpu.memory_space<vmem>>, vector<625x16x128xf32>
    %get3A_3 = arith.constant 0 : index
    %get3A_4 = arith.constant 0 : index
    %get3A_5 = arith.constant 0 : index
    %get3A_6 = vector.load %arg1[%get3A_3, %get3A_4, %get3A_5] : memref<1x1x128xf32, #tpu.memory_space<vmem>>, vector<1x1x128xf32>
    %mul3A = vector.broadcast %get3A_6 : vector<1x1x128xf32> to vector<625x16x128xf32>
    %mul3A_7 = arith.mulf %get3A_2, %mul3A : vector<625x16x128xf32>
    %reduce_sum3A = arith.constant dense<0.000000e+00> : vector<625x16xf32>
    %reduce_sum3A_8 = vector.multi_reduction <add>, %mul3A_7, %reduce_sum3A [2] : vector<625x16x128xf32> to vector<625x16xf32>
    %swap3A = arith.constant 0 : index
    %swap3A_9 = arith.constant 0 : index
    %swap3A_10 = vector.load %arg2[%swap3A, %swap3A_9] : memref<625x16xf32, #tpu.memory_space<vmem>>, vector<625x16xf32>
    tpu.vector_store %arg2[%swap3A, %swap3A_9], %reduce_sum3A_8 {strides = array<i32>} : memref<625x16xf32, #tpu.memory_space<vmem>>, vector<625x16xf32>,
    return
  }
}

</mosaic_0001>

<sc_bundles>
// kernel: kernel.5.cloned.1.call-start
scs
__scs_entry_jumppad:
0x0: {  	(pc) =	sbr.rel $0x88, $3  }
0x1: {  	(tag) =	ssettag $0x0;
	lr =	simm.s32 $0x1  }
0x2: {  	[smem:$0x3F9E] =	sst lr;
	_ =	strace $0xD0000000  }
0x3: {  	_ = 	snop  }
0x4: {  	_ = 	snop  }
0x5: {  	_ = 	snop  }
0x6: {  	_ = 	snop  }
0x7: {  	_ = 	snop  }
__scs_overlays_trampoline_lowered:
0x8: {  	[smem:$0x3FAD] =	sst s0  }
0x9: {  	[smem:$0x3FAE] =	sst s1  }
0xa: {  	[smem:$0x3FAF] =	sst s2  }
0xb: {  	[smem:$0x3FB0] =	sst s3  }
0xc: {  	[smem:$0x3FB1] =	sst s4  }
0xd: {  	[smem:$0x3FB2] =	sst s5  }
0xe: {  	[smem:$0x3FB3] =	sst s6  }
0xf: {  	[smem:$0x3FB4] =	sst s7  }
0x10: {  	[smem:$0x3FB5] =	sst s8  }
0x11: {  	[smem:$0x3FB6] =	sst s9;
	s0 =	simm.s32 @!p0 $0x0  }
0x12: {  	s1 =	sld [smem:$0x3F9C];
	s0 =	simm.s32 @p0 $0x1  }
0x13: {  	[smem:$0x3FB7] =	sst s0;
	s0 =	simm.s32 @!p1 $0x0  }
0x14: {  	s2 =	sld [smem:$0x3F9B];
	s0 =	simm.s32 @p1 $0x1  }
0x15: {  	[smem:$0x3FB8] =	sst s0;
	s0 =	simm.s32 @!p2 $0x0  }
0x16: {  	s3 =	sld [smem:$0x3FDB];
	s0 =	simm.s32 @p2 $0x1  }
0x17: {  	s4 =	simm.s32 $0x1BF5;
	[smem:$0x3FBA] =	sst s0  }
0x18: {  	s0 =	sld [smem:$0x3F9D];
	_ =	swait.ge [sflag:s4], $0x0  }
0x19: {  	s7 =	sld [smem:$0x3F9E]  }
0x1a: {  	s8 =	sadd.s32 $0xFFFFE003, lr  }
0x1b: {  	s9 =	sadd.s32 $0xFFFFFEF7, lr;
	s5 =	simm.s32 $0xFFFFFFFF;
	p2 =	slt.u32 s8, $0xFFFFF086  }
0x1c: {  	p1 =	slt.u32 s9, $0xF7A;
	s5 =	simm.s32 @!p2 $0x0  }
0x1d: {  	s5 =	simm.s32 @p1 $0x1;
	p0 =	seq.s32 s7, s2  }
0x1e: {  	s7 =	smul.u32 @!p0 $0xF7A, s2;
	p2 =	seq.s32 @!p0 s5, $0x0  }
0x1f: {  	s9 =	smul.u32 $0xF7A, s1;
	s8 =	simm.s32 @!p0 $0x1BF5;
	p2 =	por !p2, p0  }
0x20: {  	[sflag:s8] =	ssyncset.s32 @!p0 $0xFFFFF086;
	s6 =	sadd.s32 @!p0 s3, s7;
	s7 =	simm.s32 @!p0 $0x108  }
0x21: {  	s3 =	sadd.s32 s3, s9;
	s6 =	sadd.s32 @!p0 $0x88, s6;
	s7 =	simm.s32 @p2 $0x1082  }
0x22: {  	[simem:s7], [sflag:s8] =	dma.local @!p0 [hbm:s6], $0xF7A  }
0x23: {  	s9 =	sor.u32 $0xD0000000, s2;
	s6 =	simm.s32 $0x108;
	_ =	swait.ge @!p0 [sflag:s8], $0x0  }
0x24: {  	s3 =	sadd.s32 $0x88, s3;
	s6 =	simm.s32 @!p1 $0x1082;
	[sflag:s4] =	ssyncset.s32 $0xFFFFF086  }
0x25: {  	[simem:s6], [sflag:s4] =	dma.local [hbm:s3], $0xF7A  }
0x26: {  	[smem:$0x3F9E] =	sst s1;
	(tag) =	ssettag s2;
	_ =	strace s9  }
0x27: {  	s1 =	sld [smem:$0x3FAE]  }
0x28: {  	s2 =	sld [smem:$0x3FAF]  }
0x29: {  	s4 =	sld [smem:$0x3FB1]  }
0x2a: {  	p0 =	seq.s32 s5, $0x0;
	s5 =	sld [smem:$0x3FB2]  }
0x2b: {  	s6 =	sld [smem:$0x3FB3]  }
0x2c: {  	s7 =	sld [smem:$0x3FB4]  }
0x2d: {  	s3 =	simm.s32 $0x108;
	s8 =	sld [smem:$0x3FB5]  }
0x2e: {  	s3 =	simm.s32 @!p0 $0x1082;
	s9 =	sld [smem:$0x3FB6]  }
0x2f: {  	lr =	sadd.s32 s0, s3;
	s0 =	sld [smem:$0x3FAD]  }
0x30: {  	s3 =	sld [smem:$0x3FB0]  }
0x31: {  	[smem:$0x3FB9] =	sst s10  }
0x32: {  	s10 =	sld [smem:$0x3FB7];
	_ =	sdelay $0x3  }
0x33: {  	p0 =	seq.s32 s10, $0x1;
	s10 =	sld [smem:$0x3FB9];
	_ =	sdelay $0x3  }
0x34: {  	[smem:$0x3FB9] =	sst s10  }
0x35: {  	s10 =	sld [smem:$0x3FB8];
	_ =	sdelay $0x3  }
0x36: {  	p1 =	seq.s32 s10, $0x1;
	s10 =	sld [smem:$0x3FB9];
	_ =	sdelay $0x3  }
0x37: {  	[smem:$0x3FB9] =	sst s10  }
0x38: {  	s10 =	sld [smem:$0x3FBA]  }
0x39: {  	_ = 	snop;
	(pc) =	sbr.ind lr, $3  }
0x3a: {  	_ = 	snop  }
0x3b: {  	_ = 	snop  }
0x3c: {  	p2 =	seq.s32 s10, $0x1;
	s10 =	sld [smem:$0x3FB9]  }
0x3d: {  	_ =	shalt  }
0x3e: {  	_ =	shalt  }
0x3f: {  	_ =	shalt  }
0x40: {  	_ =	shalt  }
0x41: {  	_ =	shalt  }
0x42: {  	_ =	shalt  }
0x43: {  	_ =	shalt  }
0x44: {  	_ =	shalt  }
0x45: {  	_ =	shalt  }
0x46: {  	_ =	shalt  }
0x47: {  	_ =	shalt  }
0x48: {  	_ =	shalt  }
0x49: {  	_ =	shalt  }
0x4a: {  	_ =	shalt  }
0x4b: {  	_ =	shalt  }
0x4c: {  	_ =	shalt  }
0x4d: {  	_ =	shalt  }
0x4e: {  	_ =	shalt  }
0x4f: {  	_ =	shalt  }
0x50: {  	_ =	shalt  }
0x51: {  	_ =	shalt  }
0x52: {  	_ =	shalt  }
0x53: {  	_ =	shalt  }
0x54: {  	_ =	shalt  }
0x55: {  	_ =	shalt  }
0x56: {  	_ =	shalt  }
0x57: {  	_ =	shalt  }
0x58: {  	_ =	shalt  }
0x59: {  	_ =	shalt  }
0x5a: {  	_ =	shalt  }
0x5b: {  	_ =	shalt  }
0x5c: {  	_ =	shalt  }
0x5d: {  	_ =	shalt  }
0x5e: {  	_ =	shalt  }
0x5f: {  	_ =	shalt  }
0x60: {  	_ =	shalt  }
0x61: {  	_ =	shalt  }
0x62: {  	_ =	shalt  }
0x63: {  	_ =	shalt  }
0x64: {  	_ =	shalt  }
0x65: {  	_ =	shalt  }
0x66: {  	_ =	shalt  }
0x67: {  	_ =	shalt  }
0x68: {  	_ =	shalt  }
0x69: {  	_ =	shalt  }
0x6a: {  	_ =	shalt  }
0x6b: {  	_ =	shalt  }
0x6c: {  	_ =	shalt  }
0x6d: {  	_ =	shalt  }
0x6e: {  	_ =	shalt  }
0x6f: {  	_ =	shalt  }
0x70: {  	_ =	shalt  }
0x71: {  	_ =	shalt  }
0x72: {  	_ =	shalt  }
0x73: {  	_ =	shalt  }
0x74: {  	_ =	shalt  }
0x75: {  	_ =	shalt  }
0x76: {  	_ =	shalt  }
0x77: {  	_ =	shalt  }
0x78: {  	_ =	shalt  }
0x79: {  	_ =	shalt  }
0x7a: {  	_ =	shalt  }
0x7b: {  	_ =	shalt  }
0x7c: {  	_ =	shalt  }
0x7d: {  	_ =	shalt  }
0x7e: {  	_ =	shalt  }
0x7f: {  	_ =	shalt  }
0x80: {  	_ =	shalt  }
0x81: {  	_ =	shalt  }
0x82: {  	_ =	shalt  }
0x83: {  	_ =	shalt  }
0x84: {  	_ =	shalt  }
0x85: {  	_ =	shalt  }
0x86: {  	_ =	shalt  }
0x87: {  	_ =	shalt  }
.Lfunc_end0:
.L_simem_size_0:
called_computation_lowered:
.L_overlay_start_0:
0x88: {  	s2 =	sld [smem:$0x3FD9]  }
0x89: {  	s3 =	sld [smem:$0x3FFE];
	_ =	sdelay $0x1  }
0x8a: {  	s1 =	srdreg.scid  }
0x8b: {  	s0 =	sand.u32 $0x1, s1  }
0x8c: {  	s16 =	sshll.u32 s0, $0xA;
	s2 =	sadd.s32 s3, s2  }
0x8d: {  	s2 =	sadd.s32 s2, s16  }
0x8e: {  	[smem:$0x3FC5] =	sst s2  }
0x8f: {  	_ = 	snop  }
0x90: {  	(tm) =	ssettm $0x1  }
0x91: {  	s17 =	sld [smem:$0x3FFB];
	_ =	sdelay $0x3  }
0x92: {  	_ =	strace s17  }
0x93: {  	s2 =	sld [smem:$0x3FFC];
	_ =	sdelay $0x3  }
0x94: {  	_ =	strace s2  }
0x95: {  	s2 =	sld [smem:$0x3FFD];
	_ =	sdelay $0x3  }
0x96: {  	_ =	strace s2  }
0x97: {  	_ =	strace $0x8FFFFFFF  }
0x98: {  	s18 =	sld [smem:$0x3FDB];
	_ =	sdelay $0x1  }
0x99: {  	s19 =	simm.s32 $_scs_section_size  }
0x9a: {  	s4 =	simm.s32 $_size__tile_overlayer_lowered;
	s5 =	simm.s32 $_tile_overlayer_lowered  }
0x9b: {  	s22 =	simm.s32 $0x1BFF;
	s21 =	sshll.u32 s5, $0x1;
	s2 =	sadd.s32 s19, s18  }
0x9c: {  	s6 =	simm.s32 $0x0;
	s20 =	sshll.u32 s4, $0x1;
	s4 =	sadd.s32 s21, s2  }
0x9d: {  	[timem:s6], [sflag:s22] =	dma.local [hbm:s4], s20  }
0x9e: {  	_ =	swait.ge [sflag:s22], s20  }
0x9f: {  	s3 =	ssub.s32 $0x0, s20;
	[sflag:s22] =	ssyncset.done $0x0  }
0xa0: {  	[sflag:s22] =	ssyncadd.s32 s3;
	_ =	sdelay $0x1  }
0xa1: {  	s23 =	simm.s32 $0x1B8B  }
0xa2: {  	_ =	swait.ge [sflag:s23], $0x1  }
0xa3: {  	[sflag:s23] =	ssyncset.done $0x0  }
0xa4: {  	s25 =	simm.s32 $0x1B8E;
	s24 =	sld [smem:$0x3FFE];
	[sflag:s23] =	ssyncadd.s32 $0xFFFFFFFF  }
0xa5: {  	s26 =	simm.s32 $execute0_lowered;
	[smem:$0x3FD2] =	sst s25  }
0xa6: {  	s4 =	sshll.u32 s26, $0x1;
	_ =	strace $0x80000046;
	[dreg:$0x1] =	wrdreg $0xFFFFFFFF  }
0xa7: {  	s28 =	simm.s32 $_size_execute0_lowered;
	s2 =	sadd.s32 s2, s4;
	[dreg:$0x0] =	wrdreg $0x0  }
0xa8: {  	s4 =	sshll.u32 s28, $0x1;
	[dreg:$0x2] =	wrdreg s2  }
0xa9: {  	[dreg:$0x3] =	wrdreg s4  }
0xaa: {  	[dreg:$0x4] =	wrdreg $0xC0  }
0xab: {  	_ =	task [dreg:s6], $0x5FFFF  }
0xac: {  	[dreg:$0x1] =	wrdreg $0xFFFFFFFF  }
0xad: {  	[dreg:$0x0] =	wrdreg $0x60  }
0xae: {  	[dreg:$0x2] =	wrdreg s24  }
0xaf: {  	[dreg:$0x3] =	wrdreg $0x2A800  }
0xb0: {  	[dreg:$0x4] =	wrdreg $0x9  }
0xb1: {  	_ =	task.clear_ibuf [dreg:s6], $0x5FFFF;
	_ =	strace $0x90000046  }
0xb2: {  	s29 =	simm.s32 $0x9;
	_ =	strace $0x80000048  }
0xb3: {  	_ =	swait.ge [sflag:s29], $0x1  }
0xb4: {  	[sflag:s29] =	ssyncadd.s32 $0xFFFFFFFF  }
0xb5: {  	_ =	strace $0x90000048  }
0xb6: {  	_ =	sfence  }
0xb7: {  	s30 =	sld [smem:$0x0];
	_ =	sdelay $0x2  }
0xb8: {  	s31 =	sshll.u32 s1, $0xD;
	s1 =	sshrl.u32 s1, $0x2  }
0xb9: {  	s3 =	sand.u32 $0x4000, s31;
	s1 =	sadd.s32 s1, s30  }
0xba: {  	s0 =	sor.u32 s3, s0;
	s1 =	sshll.u32 s1, $0x11  }
0xbb: {  	s0 =	sor.u32 s1, s0  }
0xbc: {  	s0 =	sadd.s32 $0x8F2B, s0  }
0xbd: {  	[sflag:s0] =	ssyncadd.remote.s32 $0x1  }
0xbe: {  	_ =	sfence.sel $0xFFFF  }
0xbf: {  	[dreg:$0x0] =	wrdreg $0xFFFFFFFF;
	(pc) =	sbr.abs _section_cstart, $3  }
0xc0: {  	[dreg:$0x1] =	wrdreg $0xFFFFFFFF  }
0xc1: {  	_ =	task.clear_ibuf [dreg:s6], $0x2FFFF;
	_ =	strace $0x9FFFFFFF  }
0xc2: {  	(tm) =	ssettm $0x7FFFFFFF  }
0xc3: {  	_ =	shalt  }
tec
execute0_lowered:
.L_overlay_start_1:
0x0: {  	(tag) =	ssettag $0x1  }
0x1: {  	s1 =	srdreg.scid  }
0x2: {  	s0 =	stileid.u32;
	s5 =	rddreg [dreg:$0x0]  }
0x3: {  	s2 =	rddreg [dreg:$0x1];
	s10 =	simm.s32 $0x3;
	s11 =	simm.s32 $0x2  }
0x4: {  	s12 =	simm.s32 $0x80;
	s13 =	simm.s32 $0x2780;
	s14 =	simm.s32 $0x1  }
0x5: {  	s4 =	sand.u32 $0x1, s1;
	s29 =	sshll.u32 s0, $0x1;
	s8 =	smul.u32 $0xA00, s0  }
0x6: {  	s16 =	simm.s32 $0x0;
	s3 =	sor.u32 s4, s29;
	s30 =	smul.u32 $0x4E2, s4  }
0x7: {  	s1 =	rddreg [dreg:$0x2];
	p0 =	slt.u32 s0, $0x2;
	s6 =	smul.u32 $0x4E, s3  }
0x8: {  	p1 =	sgt.u32 s0, $0x1;
	s4 =	ssub.s32 $0x2, s4;
	s7 =	smul.u32 $0x4F, s3  }
0x9: {  	p2 =	sne.s32 @p0 s0, $0x0;
	s3 =	simm.s32 $0x0;
	s6 =	sadd.s32 $0x4, s6  }
0xa: {  	s31 =	sshrl.u32 s4, $0x1;
	s8 =	sshrl.u32 s8, $0x2;
	s6 =	smov.u32 @p0 s7  }
0xb: {  	p2 =	por p2, !p0;
	[smem:$0x7FF] =	sst s3;
	s6 =	sshll.u32 s6, $0x4  }
0xc: {  	s9 =	ssub.s32 s4, s31;
	s15 =	sshrl.u32 @!p2 s2, $0x3;
	s6 =	sand.u32 $0x1FFFFFF0, s6  }
0xd: {  	_ =	strace $0x80000047;
	s7 =	sadd.s32 s30, s5;
	s6 =	sadd.s32 s6, s5  }
0xe: {  	s7 =	sadd.s32 $0x14800, s7;
	s4 =	sadd.s32 $0xAA40, s6;
	s5 =	sadd.s32 $0xAF20, s6  }
0xf: {  	v0 =	vimm.f32 $1.000000000e+00;
	v1 =	vimm.f32 $0.0e+00;
	s6 =	sadd.s32 s8, s2;
	s8 =	smax.u32 s9, $0x1;
	s9 =	simm.s32 $0x2800  }
.LBB2_1:
0x10: {  	[tilespmem:s3], [sflag:$0x2] =	stream.linear.gather [hbm4b:s4+s3], $0x2700, $0x38;
	[tilespmem:$0x2D00] =	vst v63  }
0x11: {  	s17 =	simm.s32 @!p1 $0x0;
	s18 =	simm.s32 @!p1 $0x2700  }
0x12: {  	[tilespmem:s18], [sflag:$0x3] =	stream.linear.gather @!p1 [hbm4b:s5+s17], $0x80, $0x38;
	[tilespmem:$0x2D00] =	vst v63  }
0x13: {  	s17 =	simm.s32 @!p1 $0x3  }
0x14: {  	_ =	swait.ge @!p1 [sflag:s17], $0x80  }
0x15: {  	[sflag:s17] =	ssyncset.done @!p1 $0x0  }
0x16: {  	[sflag:s17] =	ssyncadd.s32 @!p1 $0xFFFFFF80  }
0x17: {  	[tilespmem:$0x2780] =	vst v0  }
0x18: {  	[tilespmem:$0x2790] =	vst v0  }
0x19: {  	[tilespmem:$0x27A0] =	vst v0  }
0x1a: {  	[tilespmem:$0x27B0] =	vst v0  }
0x1b: {  	[tilespmem:$0x27C0] =	vst v0  }
0x1c: {  	[tilespmem:$0x27D0] =	vst v0  }
0x1d: {  	[tilespmem:$0x27E0] =	vst v0  }
0x1e: {  	[tilespmem:$0x27F0] =	vst v0  }
0x1f: {  	[tilespmem:$0x2800] =	vst v1  }
0x20: {  	[tilespmem:$0x2810] =	vst v1  }
0x21: {  	[tilespmem:$0x2820] =	vst v1  }
0x22: {  	[tilespmem:$0x2830] =	vst v1  }
0x23: {  	[tilespmem:$0x2840] =	vst v1  }
0x24: {  	[tilespmem:$0x2850] =	vst v1  }
0x25: {  	[tilespmem:$0x2860] =	vst v1  }
0x26: {  	[tilespmem:$0x2870] =	vst v1  }
0x27: {  	[tilespmem:$0x2880] =	vst v1  }
0x28: {  	[tilespmem:$0x2890] =	vst v1  }
0x29: {  	[tilespmem:$0x28A0] =	vst v1  }
0x2a: {  	[tilespmem:$0x28B0] =	vst v1  }
0x2b: {  	[tilespmem:$0x28C0] =	vst v1  }
0x2c: {  	[tilespmem:$0x28D0] =	vst v1  }
0x2d: {  	[tilespmem:$0x28E0] =	vst v1  }
0x2e: {  	[tilespmem:$0x28F0] =	vst v1  }
0x2f: {  	[tilespmem:$0x2900] =	vst v1  }
0x30: {  	[tilespmem:$0x2910] =	vst v1  }
0x31: {  	[tilespmem:$0x2920] =	vst v1  }
0x32: {  	[tilespmem:$0x2930] =	vst v1  }
0x33: {  	[tilespmem:$0x2940] =	vst v1  }
0x34: {  	[tilespmem:$0x2950] =	vst v1  }
0x35: {  	[tilespmem:$0x2960] =	vst v1  }
0x36: {  	[tilespmem:$0x2970] =	vst v1  }
0x37: {  	[tilespmem:$0x2980] =	vst v1  }
0x38: {  	[tilespmem:$0x2990] =	vst v1  }
0x39: {  	[tilespmem:$0x29A0] =	vst v1  }
0x3a: {  	[tilespmem:$0x29B0] =	vst v1  }
0x3b: {  	[tilespmem:$0x29C0] =	vst v1  }
0x3c: {  	[tilespmem:$0x29D0] =	vst v1  }
0x3d: {  	[tilespmem:$0x29E0] =	vst v1  }
0x3e: {  	[tilespmem:$0x29F0] =	vst v1  }
0x3f: {  	[tilespmem:$0x2A00] =	vst v1  }
0x40: {  	[tilespmem:$0x2A10] =	vst v1  }
0x41: {  	[tilespmem:$0x2A20] =	vst v1  }
0x42: {  	[tilespmem:$0x2A30] =	vst v1  }
0x43: {  	[tilespmem:$0x2A40] =	vst v1  }
0x44: {  	[tilespmem:$0x2A50] =	vst v1  }
0x45: {  	[tilespmem:$0x2A60] =	vst v1  }
0x46: {  	[tilespmem:$0x2A70] =	vst v1  }
0x47: {  	[spmem:s6] =	stream.linear.scatter [tilespmem:s9], [sflag:$0x3], $0x280, $0x38;
	[tilespmem:$0x2D00] =	vst v63  }
0x48: {  	_ =	swait.ge [sflag:s10], $0x280  }
0x49: {  	[sflag:s10] =	ssyncset.done $0x0  }
0x4a: {  	[sflag:s10] =	ssyncadd.s32 $0xFFFFFD80  }
0x4b: {  	_ =	swait.ge [sflag:s11], $0x2700  }
0x4c: {  	[sflag:s11] =	ssyncset.done $0x0  }
0x4d: {  	[sflag:s11] =	ssyncadd.s32 $0xFFFFD900  }
0x4e: {  	s18 =	simm.s32 $0x0;
	s17 =	simm.s32 $0x200;
	[bflag:$0x0] =	sbarrier.arrive $0xFFFF  }
.LBB2_2:
0x4f: {  	[spmem:s2] =	stream.indirect.scatter.add.f32 [tilespmem:s13], [sflag:$0x1], $0x1, s18, s12, $0xb8;
	[tilespmem:$0x2D00] =	vst v63  }
0x50: {  	s18 =	smov.u32 s17;
	p3 =	sne.s32 s17, $0x9A00  }
.Ltmp0:
0x51: {  	s17 =	sadd.s32 $0x200, s17;
	(pc) =	sbr.rel @p3 .LBB2_2-.Ltmp0, $2  }
0x52: {  	_ =	sdelay $0x2  }
0x53: {  	s18 =	sshra.s32 s18, $0x2  }
0x54: {  	[spmem:s2] =	stream.indirect.scatter.add.f32 [tilespmem:s13], [sflag:$0x1], $0x1, s18, s12, $0xb8;
	[tilespmem:$0x2D00] =	vst v63  }
0x55: {  	s17 =	simm.s32 @!p1 $0x80;
	s18 =	simm.s32 @!p1 $0x2700;
	s19 =	simm.s32 @!p1 $0x2780  }
0x56: {  	[spmem:s2] =	stream.indirect.scatter.add.f32 @!p1 [tilespmem:s19], [sflag:$0x1], $0x1, s18, s17, $0xb8;
	[tilespmem:$0x2D00] =	vst v63  }
0x57: {  	_ =	swait.ge [sflag:s14], $0x80  }
0x58: {  	s17 =	simm.s32 $0x4D;
	[sflag:s14] =	ssyncset.done $0x0  }
.LBB2_4:
0x59: {  	p3 =	sne.s32 s17, $0x1;
	s17 =	sadd.s32 $0xFFFFFFFF, s17;
	[sflag:s14] =	ssyncadd.s32 $0xFFFFFF80  }
.Ltmp1:
0x5a: {  	(pc) =	sbr.rel @p3 .LBB2_4-.Ltmp1, $3  }
0x5b: {  	_ =	sdelay $0x1  }
0x5c: {  	_ =	swait.ge [sflag:s14], $0x80  }
0x5d: {  	[sflag:s14] =	ssyncset.done $0x0  }
0x5e: {  	[sflag:s14] =	ssyncadd.s32 $0xFFFFFF80;
	s17 =	simm.s32 @p0 $0x1  }
0x5f: {  	_ =	swait.ge @p0 [sflag:s17], $0x80  }
0x60: {  	[sflag:s17] =	ssyncset.done @p0 $0x0  }
0x61: {  	[sflag:s17] =	ssyncadd.s32 @p0 $0xFFFFFF80  }
0x62: {  	s16 =	sadd.s32 $0x1, s16;
	s17 =	simm.s32 @!p2 $0x1C03;
	[bflag:$0x0] =	sbarrier.arrive @p0 $0xFFFF  }
0x63: {  	[hbm:s7], [sflag:s17] =	dma.local @!p2 [spmem:s15], $0x4E2  }
0x64: {  	p3 =	sne.s32 s16, s8;
	s17 =	simm.s32 @!p2 $0x3  }
.Ltmp2:
0x65: {  	_ =	swait.ge @!p2 [sflag:s17], $0x4E2;
	(pc) =	sbr.rel @p3 .LBB2_1-.Ltmp2, $3  }
0x66: {  	[sflag:s17] =	ssyncset.done @!p2 $0x0  }
0x67: {  	[sflag:s17] =	ssyncadd.s32 @!p2 $0xFFFFFB1E  }
0x68: {  	[bflag:$0x0] =	sbarrier.arrive @!p0 $0xFFFF;
	_ =	sdelay $0x1  }
0x69: {  	_ =	sfence.sel $0x180000  }
0x6a: {  	[bflag:$0x0] =	sbarrier.arrive $0xFFFF  }
0x6b: {  	p0 =	sne.s32 s0, $0x0;
	_ =	strace $0x90000047  }
0x6c: {  	s0 =	sadd.s32 @!p0 $0x100000, s1;
	[bflag:$0x2] =	sbarrier.arrive $0xFFFF  }
0x6d: {  	[sflag:s0] =	ssyncadd.tile.s32 @!p0 $0x1;
	_ =	shalt  }
.Lfunc_end2:
_tile_overlayer_lowered:
.L_overlay_start_2:
0x6e: {  	(tag) =	ssettag $0x2  }
0x6f: {  	s0 =	rddreg [dreg:$0x0];
	s2 =	stileid.u32  }
0x70: {  	s1 =	rddreg [dreg:$0x1];
	p0 =	sne.s32 s2, $0x0  }
0x71: {  	s3 =	rddreg [dreg:$0x2];
	[bflag:$0x3] =	sbarrier.arrive $0xFFFF;
	s2 =	simm.s32 @!p0 $0x1C03  }
0x72: {  	[timem:s3], [sflag:s2] =	dma.local @!p0 [hbm:s0], s1  }
0x73: {  	s0 =	simm.s32 @!p0 $0x3  }
0x74: {  	_ =	swait.ge @!p0 [sflag:s0], s1  }
0x75: {  	s1 =	ssub.s32 @!p0 $0x0, s1;
	[sflag:s0] =	ssyncset.done @!p0 $0x0  }
0x76: {  	[sflag:s0] =	ssyncadd.s32 @!p0 s1  }
0x77: {  	[bflag:$0x3] =	sbarrier.arrive $0xFFFF  }
0x78: {  	_ =	shalt  }

// kernel: kernel.8.cloned.1.call-start
scs
__scs_entry_jumppad:
0x0: {  	(pc) =	sbr.rel $0x88, $3  }
0x1: {  	(tag) =	ssettag $0x0;
	lr =	simm.s32 $0x1  }
0x2: {  	[smem:$0x3F9E] =	sst lr;
	_ =	strace $0xD0000000  }
0x3: {  	_ = 	snop  }
0x4: {  	_ = 	snop  }
0x5: {  	_ = 	snop  }
0x6: {  	_ = 	snop  }
0x7: {  	_ = 	snop  }
__scs_overlays_trampoline_lowered:
0x8: {  	[smem:$0x3FAD] =	sst s0  }
0x9: {  	[smem:$0x3FAE] =	sst s1  }
0xa: {  	[smem:$0x3FAF] =	sst s2  }
0xb: {  	[smem:$0x3FB0] =	sst s3  }
0xc: {  	[smem:$0x3FB1] =	sst s4  }
0xd: {  	[smem:$0x3FB2] =	sst s5  }
0xe: {  	[smem:$0x3FB3] =	sst s6  }
0xf: {  	[smem:$0x3FB4] =	sst s7  }
0x10: {  	[smem:$0x3FB5] =	sst s8  }
0x11: {  	[smem:$0x3FB6] =	sst s9;
	s0 =	simm.s32 @!p0 $0x0  }
0x12: {  	s1 =	sld [smem:$0x3F9C];
	s0 =	simm.s32 @p0 $0x1  }
0x13: {  	[smem:$0x3FB7] =	sst s0;
	s0 =	simm.s32 @!p1 $0x0  }
0x14: {  	s2 =	sld [smem:$0x3F9B];
	s0 =	simm.s32 @p1 $0x1  }
0x15: {  	[smem:$0x3FB8] =	sst s0;
	s0 =	simm.s32 @!p2 $0x0  }
0x16: {  	s3 =	sld [smem:$0x3FDB];
	s0 =	simm.s32 @p2 $0x1  }
0x17: {  	s4 =	simm.s32 $0x1BF5;
	[smem:$0x3FBA] =	sst s0  }
0x18: {  	s0 =	sld [smem:$0x3F9D];
	_ =	swait.ge [sflag:s4], $0x0  }
0x19: {  	s7 =	sld [smem:$0x3F9E]  }
0x1a: {  	s8 =	sadd.s32 $0xFFFFE003, lr  }
0x1b: {  	s9 =	sadd.s32 $0xFFFFFEF7, lr;
	s5 =	simm.s32 $0xFFFFFFFF;
	p2 =	slt.u32 s8, $0xFFFFF086  }
0x1c: {  	p1 =	slt.u32 s9, $0xF7A;
	s5 =	simm.s32 @!p2 $0x0  }
0x1d: {  	s5 =	simm.s32 @p1 $0x1;
	p0 =	seq.s32 s7, s2  }
0x1e: {  	s7 =	smul.u32 @!p0 $0xF7A, s2;
	p2 =	seq.s32 @!p0 s5, $0x0  }
0x1f: {  	s9 =	smul.u32 $0xF7A, s1;
	s8 =	simm.s32 @!p0 $0x1BF5;
	p2 =	por !p2, p0  }
0x20: {  	[sflag:s8] =	ssyncset.s32 @!p0 $0xFFFFF086;
	s6 =	sadd.s32 @!p0 s3, s7;
	s7 =	simm.s32 @!p0 $0x108  }
0x21: {  	s3 =	sadd.s32 s3, s9;
	s6 =	sadd.s32 @!p0 $0x88, s6;
	s7 =	simm.s32 @p2 $0x1082  }
0x22: {  	[simem:s7], [sflag:s8] =	dma.local @!p0 [hbm:s6], $0xF7A  }
0x23: {  	s9 =	sor.u32 $0xD0000000, s2;
	s6 =	simm.s32 $0x108;
	_ =	swait.ge @!p0 [sflag:s8], $0x0  }
0x24: {  	s3 =	sadd.s32 $0x88, s3;
	s6 =	simm.s32 @!p1 $0x1082;
	[sflag:s4] =	ssyncset.s32 $0xFFFFF086  }
0x25: {  	[simem:s6], [sflag:s4] =	dma.local [hbm:s3], $0xF7A  }
0x26: {  	[smem:$0x3F9E] =	sst s1;
	(tag) =	ssettag s2;
	_ =	strace s9  }
0x27: {  	s1 =	sld [smem:$0x3FAE]  }
0x28: {  	s2 =	sld [smem:$0x3FAF]  }
0x29: {  	s4 =	sld [smem:$0x3FB1]  }
0x2a: {  	p0 =	seq.s32 s5, $0x0;
	s5 =	sld [smem:$0x3FB2]  }
0x2b: {  	s6 =	sld [smem:$0x3FB3]  }
0x2c: {  	s7 =	sld [smem:$0x3FB4]  }
0x2d: {  	s3 =	simm.s32 $0x108;
	s8 =	sld [smem:$0x3FB5]  }
0x2e: {  	s3 =	simm.s32 @!p0 $0x1082;
	s9 =	sld [smem:$0x3FB6]  }
0x2f: {  	lr =	sadd.s32 s0, s3;
	s0 =	sld [smem:$0x3FAD]  }
0x30: {  	s3 =	sld [smem:$0x3FB0]  }
0x31: {  	[smem:$0x3FB9] =	sst s10  }
0x32: {  	s10 =	sld [smem:$0x3FB7];
	_ =	sdelay $0x3  }
0x33: {  	p0 =	seq.s32 s10, $0x1;
	s10 =	sld [smem:$0x3FB9];
	_ =	sdelay $0x3  }
0x34: {  	[smem:$0x3FB9] =	sst s10  }
0x35: {  	s10 =	sld [smem:$0x3FB8];
	_ =	sdelay $0x3  }
0x36: {  	p1 =	seq.s32 s10, $0x1;
	s10 =	sld [smem:$0x3FB9];
	_ =	sdelay $0x3  }
0x37: {  	[smem:$0x3FB9] =	sst s10  }
0x38: {  	s10 =	sld [smem:$0x3FBA]  }
0x39: {  	_ = 	snop;
	(pc) =	sbr.ind lr, $3  }
0x3a: {  	_ = 	snop  }
0x3b: {  	_ = 	snop  }
0x3c: {  	p2 =	seq.s32 s10, $0x1;
	s10 =	sld [smem:$0x3FB9]  }
0x3d: {  	_ =	shalt  }
0x3e: {  	_ =	shalt  }
0x3f: {  	_ =	shalt  }
0x40: {  	_ =	shalt  }
0x41: {  	_ =	shalt  }
0x42: {  	_ =	shalt  }
0x43: {  	_ =	shalt  }
0x44: {  	_ =	shalt  }
0x45: {  	_ =	shalt  }
0x46: {  	_ =	shalt  }
0x47: {  	_ =	shalt  }
0x48: {  	_ =	shalt  }
0x49: {  	_ =	shalt  }
0x4a: {  	_ =	shalt  }
0x4b: {  	_ =	shalt  }
0x4c: {  	_ =	shalt  }
0x4d: {  	_ =	shalt  }
0x4e: {  	_ =	shalt  }
0x4f: {  	_ =	shalt  }
0x50: {  	_ =	shalt  }
0x51: {  	_ =	shalt  }
0x52: {  	_ =	shalt  }
0x53: {  	_ =	shalt  }
0x54: {  	_ =	shalt  }
0x55: {  	_ =	shalt  }
0x56: {  	_ =	shalt  }
0x57: {  	_ =	shalt  }
0x58: {  	_ =	shalt  }
0x59: {  	_ =	shalt  }
0x5a: {  	_ =	shalt  }
0x5b: {  	_ =	shalt  }
0x5c: {  	_ =	shalt  }
0x5d: {  	_ =	shalt  }
0x5e: {  	_ =	shalt  }
0x5f: {  	_ =	shalt  }
0x60: {  	_ =	shalt  }
0x61: {  	_ =	shalt  }
0x62: {  	_ =	shalt  }
0x63: {  	_ =	shalt  }
0x64: {  	_ =	shalt  }
0x65: {  	_ =	shalt  }
0x66: {  	_ =	shalt  }
0x67: {  	_ =	shalt  }
0x68: {  	_ =	shalt  }
0x69: {  	_ =	shalt  }
0x6a: {  	_ =	shalt  }
0x6b: {  	_ =	shalt  }
0x6c: {  	_ =	shalt  }
0x6d: {  	_ =	shalt  }
0x6e: {  	_ =	shalt  }
0x6f: {  	_ =	shalt  }
0x70: {  	_ =	shalt  }
0x71: {  	_ =	shalt  }
0x72: {  	_ =	shalt  }
0x73: {  	_ =	shalt  }
0x74: {  	_ =	shalt  }
0x75: {  	_ =	shalt  }
0x76: {  	_ =	shalt  }
0x77: {  	_ =	shalt  }
0x78: {  	_ =	shalt  }
0x79: {  	_ =	shalt  }
0x7a: {  	_ =	shalt  }
0x7b: {  	_ =	shalt  }
0x7c: {  	_ =	shalt  }
0x7d: {  	_ =	shalt  }
0x7e: {  	_ =	shalt  }
0x7f: {  	_ =	shalt  }
0x80: {  	_ =	shalt  }
0x81: {  	_ =	shalt  }
0x82: {  	_ =	shalt  }
0x83: {  	_ =	shalt  }
0x84: {  	_ =	shalt  }
0x85: {  	_ =	shalt  }
0x86: {  	_ =	shalt  }
0x87: {  	_ =	shalt  }
.Lfunc_end0:
.L_simem_size_0:
called_computation.1_lowered:
.L_overlay_start_0:
0x88: {  	s2 =	sld [smem:$0x3FD9]  }
0x89: {  	s3 =	sld [smem:$0x3FFE];
	_ =	sdelay $0x1  }
0x8a: {  	s1 =	srdreg.scid  }
0x8b: {  	s0 =	sand.u32 $0x1, s1  }
0x8c: {  	s17 =	sshll.u32 s0, $0xA;
	s2 =	sadd.s32 s3, s2  }
0x8d: {  	s2 =	sadd.s32 s2, s17  }
0x8e: {  	[smem:$0x3FC5] =	sst s2  }
0x8f: {  	_ = 	snop  }
0x90: {  	s2 =	sld [smem:$0x3FD0];
	(tm) =	ssettm $0x1  }
0x91: {  	s18 =	sld [smem:$0x3FFB];
	_ =	sdelay $0x3  }
0x92: {  	_ =	strace s18  }
0x93: {  	s3 =	sld [smem:$0x3FFC];
	_ =	sdelay $0x3  }
0x94: {  	_ =	strace s3  }
0x95: {  	s3 =	sld [smem:$0x3FFD];
	_ =	sdelay $0x3  }
0x96: {  	_ =	strace s3  }
0x97: {  	_ =	strace $0x8FFFFFFF  }
0x98: {  	s19 =	sld [smem:$0x3FDB];
	_ =	sdelay $0x1  }
0x99: {  	s4 =	simm.s32 $_scs_section_size  }
0x9a: {  	s5 =	simm.s32 $_size__tile_overlayer_lowered;
	s6 =	simm.s32 $_tile_overlayer_lowered  }
0x9b: {  	s22 =	simm.s32 $0x1BFF;
	s21 =	sshll.u32 s6, $0x1;
	s3 =	sadd.s32 s4, s19  }
0x9c: {  	s7 =	simm.s32 $0x0;
	s20 =	sshll.u32 s5, $0x1;
	s5 =	sadd.s32 s21, s3  }
0x9d: {  	[timem:s7], [sflag:s22] =	dma.local [hbm:s5], s20  }
0x9e: {  	_ =	swait.ge [sflag:s22], s20  }
0x9f: {  	s4 =	ssub.s32 $0x0, s20;
	[sflag:s22] =	ssyncset.done $0x0  }
0xa0: {  	[sflag:s22] =	ssyncadd.s32 s4;
	_ =	sdelay $0x1  }
0xa1: {  	s23 =	simm.s32 $0x1B8B  }
0xa2: {  	_ =	swait.ge [sflag:s23], $0x1  }
0xa3: {  	[sflag:s23] =	ssyncset.done $0x0  }
0xa4: {  	s25 =	simm.s32 $0x1B8E;
	s24 =	sld [smem:$0x3FFE];
	[sflag:s23] =	ssyncadd.s32 $0xFFFFFFFF  }
0xa5: {  	s26 =	simm.s32 $execute0_lowered;
	[smem:$0x3FD2] =	sst s25  }
0xa6: {  	s5 =	sshll.u32 s26, $0x1;
	_ =	strace $0x80000049;
	[dreg:$0x1] =	wrdreg $0xFFFFFFFF  }
0xa7: {  	s28 =	simm.s32 $_size_execute0_lowered;
	s3 =	sadd.s32 s3, s5;
	[dreg:$0x0] =	wrdreg $0x0  }
0xa8: {  	s5 =	sshll.u32 s28, $0x1;
	[dreg:$0x2] =	wrdreg s3  }
0xa9: {  	[dreg:$0x3] =	wrdreg s5  }
0xaa: {  	[dreg:$0x4] =	wrdreg $0xC0  }
0xab: {  	_ =	task [dreg:s7], $0x5FFFF  }
0xac: {  	[dreg:$0x1] =	wrdreg $0xFFFFFFFF  }
0xad: {  	[dreg:$0x0] =	wrdreg $0x60  }
0xae: {  	[dreg:$0x2] =	wrdreg s24  }
0xaf: {  	[dreg:$0x3] =	wrdreg s2  }
0xb0: {  	[dreg:$0x4] =	wrdreg $0xAB000  }
0xb1: {  	[dreg:$0x5] =	wrdreg $0xA8800  }
0xb2: {  	[dreg:$0x6] =	wrdreg $0x9  }
0xb3: {  	_ =	task.clear_ibuf [dreg:s7], $0x7FFFF;
	_ =	strace $0x90000049  }
0xb4: {  	s29 =	simm.s32 $0x9;
	_ =	strace $0x8000004B  }
0xb5: {  	_ =	swait.ge [sflag:s29], $0x1  }
0xb6: {  	[sflag:s29] =	ssyncadd.s32 $0xFFFFFFFF  }
0xb7: {  	_ =	strace $0x9000004B  }
0xb8: {  	_ =	sfence  }
0xb9: {  	s30 =	sld [smem:$0x0];
	_ =	sdelay $0x2  }
0xba: {  	s31 =	sshll.u32 s1, $0xD;
	s1 =	sshrl.u32 s1, $0x2  }
0xbb: {  	s3 =	sand.u32 $0x4000, s31;
	s1 =	sadd.s32 s1, s30  }
0xbc: {  	s0 =	sor.u32 s3, s0;
	s1 =	sshll.u32 s1, $0x11  }
0xbd: {  	s0 =	sor.u32 s1, s0  }
0xbe: {  	s0 =	sadd.s32 $0x8F2B, s0  }
0xbf: {  	[sflag:s0] =	ssyncadd.remote.s32 $0x1  }
0xc0: {  	_ =	sfence.sel $0xFFFF  }
0xc1: {  	[dreg:$0x0] =	wrdreg $0xFFFFFFFF;
	(pc) =	sbr.abs _section_cstart, $3  }
0xc2: {  	[dreg:$0x1] =	wrdreg $0xFFFFFFFF  }
0xc3: {  	_ =	task.clear_ibuf [dreg:s7], $0x2FFFF;
	_ =	strace $0x9FFFFFFF  }
0xc4: {  	(tm) =	ssettm $0x7FFFFFFF  }
0xc5: {  	_ =	shalt  }
tec
execute0_lowered:
.L_overlay_start_1:
0x0: {  	(tag) =	ssettag $0x1  }
0x1: {  	s0 =	rddreg [dreg:$0x0]  }
0x2: {  	s1 =	rddreg [dreg:$0x1];
	s21 =	stileid.u32  }
0x3: {  	s3 =	srdreg.scid;
	s2 =	rddreg [dreg:$0x2];
	s28 =	simm.s32 $0xA100  }
0x4: {  	s29 =	simm.s32 $0xA380;
	s30 =	simm.s32 $0x2;
	s31 =	simm.s32 $0x80  }
0x5: {  	s5 =	sand.u32 $0x1, s3;
	s4 =	sshll.u32 s21, $0x1;
	s3 =	rddreg [dreg:$0x3]  }
0x6: {  	s23 =	smul.u32 $0x280, s21;
	p0 =	slt.u32 s21, $0x2;
	s8 =	sadd.s32 $0xE00, s0  }
0x7: {  	s24 =	sadd.s32 $0x14CB0, s0;
	s25 =	sadd.s32 $0x4B0, s1;
	s18 =	sadd.s32 $0x2580, s2  }
0x8: {  	p1 =	seq.s32 s21, $0xF;
	s6 =	sor.u32 s5, s4;
	s4 =	simm.s32 $0x0  }
0x9: {  	s9 =	ssub.s32 $0x2, s5;
	s7 =	smul.u32 $0x4E, s6;
	[smem:$0x7FF] =	sst s4  }
0xa: {  	s6 =	smul.u32 $0x4F, s6;
	s10 =	sshrl.u32 s23, $0x3;
	s12 =	sshrl.u32 s9, $0x1  }
0xb: {  	_ =	strace $0x8000004A;
	s11 =	sadd.s32 s10, s0;
	[dreg:$0x5] =	wrdreg s24  }
0xc: {  	s20 =	ssub.s32 s9, s12;
	s9 =	smul.u32 $0x2710, s5;
	[dreg:$0x7] =	wrdreg s25  }
0xd: {  	s17 =	sadd.s32 s1, s10;
	s24 =	simm.s32 $0x3;
	s1 =	simm.s32 $0x1  }
0xe: {  	s7 =	sadd.s32 $0x4, s7;
	s15 =	sadd.s32 $0x14800, s11;
	s16 =	sadd.s32 $0x14CE2, s11  }
0xf: {  	s20 =	smax.u32 s20, $0x1;
	s7 =	smov.u32 @p0 s6;
	s6 =	sadd.s32 $0x15200, s0  }
0x10: {  	s0 =	sadd.s32 $0x15192, s0;
	s26 =	sshrl.u32 s9, $0x3;
	p0 =	sgt.u32 s21, $0x1  }
0x11: {  	s7 =	sshll.u32 s7, $0x4;
	[dreg:$0x6] =	wrdreg s0;
	s0 =	sadd.s32 s6, s26  }
0x12: {  	s26 =	simm.s32 $0x9E80;
	s13 =	sand.u32 $0x1FFFFFF0, s7;
	s7 =	sadd.s32 s8, s7  }
0x13: {  	s19 =	sadd.s32 $0x4B0, s0;
	s0 =	simm.s32 $0x0;
	s14 =	sadd.s32 s8, s13  }
0x14: {  	v0 =	vimm.f32 $0.0e+00;
	s8 =	sadd.s32 $0x9C40, s14;
	s13 =	sadd.s32 $0x4E0, s14;
	s14 =	sadd.s32 $0xA120, s14  }
.LBB2_1:
.Ltmp0:
0x15: {  	(pc) =	sbr.rel @p0 .LBB2_3-.Ltmp0, $4  }
0x16: {  	s5 =	simm.s32 $0x2800  }
0x17: {  	[tilespmem:s5], [sflag:$0x2] =	stream.linear.gather [hbm4b:s7+s4], $0x2700, $0x38;
	[tilespmem:$0xAD80] =	vst v63  }
0x18: {  	s25 =	simm.s32 $0x4F80  }
0x19: {  	[tilespmem:s25], [sflag:$0x2] =	stream.linear.gather [hbm4b:s8+s4], $0x2700, $0x38;
	[tilespmem:$0xAD80] =	vst v63  }
0x1a: {  	s5 =	simm.s32 $0x4F00  }
0x1b: {  	[tilespmem:s5], [sflag:$0x3] =	stream.linear.gather [hbm4b:s13+s4], $0x80, $0x38;
	[tilespmem:$0xAD80] =	vst v63  }
0x1c: {  	_ =	swait.ge [sflag:s24], $0x80  }
0x1d: {  	[sflag:s24] =	ssyncset.done $0x0  }
.Ltmp1:
0x1e: {  	s25 =	simm.s32 $0x7680;
	[sflag:s24] =	ssyncadd.s32 $0xFFFFFF80;
	(pc) =	sbr.rel .LBB2_4-.Ltmp1, $4  }
0x1f: {  	[tilespmem:s25], [sflag:$0x3] =	stream.linear.gather [hbm4b:s14+s4], $0x80, $0x38;
	[tilespmem:$0xAD80] =	vst v63  }
0x20: {  	_ =	swait.ge [sflag:s24], $0x80  }
0x21: {  	[sflag:s24] =	ssyncset.done $0x0  }
0x22: {  	[sflag:s24] =	ssyncadd.s32 $0xFFFFFF80  }
.LBB2_3:
.Ltmp2:
0x23: {  	(pc) =	sbr.rel @!p1 .LBB2_4-.Ltmp2, $1  }
0x24: {  	_ =	sdelay $0x3  }
0x25: {  	s5 =	rddreg [dreg:$0x5]  }
0x26: {  	[tilespmem:s26], [sflag:$0x3] =	stream.linear.gather [hbm4b:s5+s4], $0x190, $0x38;
	[tilespmem:$0xAD80] =	vst v63  }
0x27: {  	_ =	swait.ge [sflag:s24], $0x190  }
0x28: {  	[sflag:s24] =	ssyncset.done $0x0  }
0x29: {  	s22 =	rddreg [dreg:$0x6];
	[sflag:s24] =	ssyncadd.s32 $0xFFFFFE70  }
0x2a: {  	[tilespmem:s28], [sflag:$0x3] =	stream.linear.gather [hbm4b:s22+s4], $0x190, $0x38;
	[tilespmem:$0xAD80] =	vst v63  }
0x2b: {  	_ =	swait.ge [sflag:s24], $0x190  }
0x2c: {  	[sflag:s24] =	ssyncset.done $0x0  }
.Ltmp3:
0x2d: {  	s25 =	rddreg [dreg:$0x7];
	[sflag:s24] =	ssyncadd.s32 $0xFFFFFE70;
	(pc) =	sbr.rel .LBB2_6-.Ltmp3, $4  }
0x2e: {  	[tilespmem:s29], [sflag:$0x3] =	stream.linear.gather [hbm4b:s25+s4], $0x190, $0x38;
	[tilespmem:$0xAD80] =	vst v63  }
0x2f: {  	_ =	swait.ge [sflag:s24], $0x190  }
0x30: {  	[sflag:s24] =	ssyncset.done $0x0  }
0x31: {  	p2 =	por $0x1, $0x1;
	s5 =	simm.s32 $0x2580;
	[sflag:s24] =	ssyncadd.s32 $0xFFFFFE70  }
.LBB2_4:
0x32: {  	[tilespmem:s26], [sflag:$0x3] =	stream.linear.gather [hbm4b:s15+s4], $0x280, $0x38;
	[tilespmem:$0xAD80] =	vst v63  }
0x33: {  	_ =	swait.ge [sflag:s24], $0x280  }
0x34: {  	[sflag:s24] =	ssyncset.done $0x0  }
0x35: {  	[sflag:s24] =	ssyncadd.s32 $0xFFFFFD80  }
0x36: {  	[tilespmem:s28], [sflag:$0x3] =	stream.linear.gather [hbm4b:s16+s4], $0x280, $0x38;
	[tilespmem:$0xAD80] =	vst v63  }
0x37: {  	_ =	swait.ge [sflag:s24], $0x280  }
0x38: {  	[sflag:s24] =	ssyncset.done $0x0  }
0x39: {  	[sflag:s24] =	ssyncadd.s32 $0xFFFFFD80  }
0x3a: {  	[tilespmem:s29], [sflag:$0x3] =	stream.linear.gather [hbm4b:s17+s4], $0x280, $0x38;
	[tilespmem:$0xAD80] =	vst v63  }
0x3b: {  	_ =	swait.ge [sflag:s24], $0x280  }
0x3c: {  	[sflag:s24] =	ssyncset.done $0x0  }
0x3d: {  	p2 =	por $0x0, $0x0;
	s5 =	smov.u32 s23;
	[sflag:s24] =	ssyncadd.s32 $0xFFFFFD80  }
.LBB2_6:
0x3e: {  	s10 =	simm.s32 $0x0  }
0x3f: {  	s11 =	simm.s32 $0x40;
	v1 =	vld [tilespmem:s10+$0xA100]  }
.LBB2_7:
0x40: {  	p3 =	sne.s32 s11, $0x9C0;
	v2 =	vld [tilespmem:s10+$0x9E80];
	_ =	sdelay $0x4  }
0x41: {  	v1 =	vadd.f32 v1, v2;
	_ =	sdelay $0x1  }
0x42: {  	v1 =	vadd.f32 $1.000000000e+00, v1;
	_ =	sdelay $0x1  }
0x43: {  	v2 =	vshra.s32 v1, $0x1;
	v1 =	vmul.f32 $5.000000000e-01, v1  }
0x44: {  	v2 =	vsub.s32 $0x5F3759DF, v2  }
0x45: {  	v3 =	vmul.f32 v2, v1;
	_ =	sdelay $0x1  }
0x46: {  	v3 =	vmul.f32 v2, v3;
	_ =	sdelay $0x1  }
0x47: {  	v3 =	vsub.f32 $1.500000000e+00, v3;
	_ =	sdelay $0x1  }
0x48: {  	v2 =	vmul.f32 v2, v3;
	_ =	sdelay $0x1  }
0x49: {  	v3 =	vmul.f32 v2, v1;
	_ =	sdelay $0x1  }
0x4a: {  	v3 =	vmul.f32 v3, v2;
	_ =	sdelay $0x1  }
0x4b: {  	v3 =	vsub.f32 $1.500000000e+00, v3;
	_ =	sdelay $0x1  }
0x4c: {  	v2 =	vmul.f32 v3, v2;
	_ =	sdelay $0x1  }
0x4d: {  	v1 =	vmul.f32 v2, v1;
	_ =	sdelay $0x1  }
0x4e: {  	v1 =	vmul.f32 v1, v2  }
0x4f: {  	v3 =	vld [tilespmem:s10+$0xA380]  }
0x50: {  	v1 =	vsub.f32 $1.500000000e+00, v1;
	_ =	sdelay $0x1  }
.Ltmp4:
0x51: {  	v1 =	vmul.f32 v1, v2;
	(pc) =	sbr.rel @p3 .LBB2_7-.Ltmp4, $4  }
0x52: {  	_ = 	snop  }
0x53: {  	[tilespmem:s10+$0xA600] =	vst v1;
	v2 =	vmul.f32 v1, v3  }
0x54: {  	s25 =	sshra.s32 s11, $0x2  }
0x55: {  	s11 =	sadd.s32 $0x40, s11;
	v1 =	vld [tilespmem:s25+$0xA100];
	[tilespmem:s10+$0x9E80] =	vst v2;
	s10 =	smov.u32 s25  }
0x56: {  	v2 =	vld [tilespmem:s10+$0x9E80];
	_ =	sdelay $0x4  }
0x57: {  	v1 =	vadd.f32 v1, v2;
	_ =	sdelay $0x1  }
0x58: {  	v1 =	vadd.f32 $1.000000000e+00, v1;
	_ =	sdelay $0x1  }
0x59: {  	v2 =	vshra.s32 v1, $0x1;
	v1 =	vmul.f32 $5.000000000e-01, v1  }
0x5a: {  	v2 =	vsub.s32 $0x5F3759DF, v2  }
0x5b: {  	v3 =	vmul.f32 v2, v1;
	_ =	sdelay $0x1  }
0x5c: {  	v3 =	vmul.f32 v2, v3;
	_ =	sdelay $0x1  }
0x5d: {  	v3 =	vsub.f32 $1.500000000e+00, v3;
	_ =	sdelay $0x1  }
0x5e: {  	v2 =	vmul.f32 v2, v3;
	_ =	sdelay $0x1  }
0x5f: {  	v3 =	vmul.f32 v2, v1;
	_ =	sdelay $0x1  }
0x60: {  	v3 =	vmul.f32 v3, v2;
	_ =	sdelay $0x1  }
0x61: {  	v3 =	vsub.f32 $1.500000000e+00, v3;
	_ =	sdelay $0x1  }
0x62: {  	v2 =	vmul.f32 v3, v2;
	_ =	sdelay $0x1  }
0x63: {  	v1 =	vmul.f32 v2, v1;
	_ =	sdelay $0x1  }
0x64: {  	v1 =	vmul.f32 v1, v2  }
0x65: {  	v3 =	vld [tilespmem:s10+$0xA380]  }
0x66: {  	v1 =	vsub.f32 $1.500000000e+00, v1;
	_ =	sdelay $0x1  }
0x67: {  	v1 =	vmul.f32 v1, v2;
	_ =	sdelay $0x1  }
0x68: {  	v2 =	vmul.f32 v1, v3  }
0x69: {  	[tilespmem:s10+$0xA600] =	vst v1  }
0x6a: {  	[tilespmem:s10+$0x9E80] =	vst v2;
	s10 =	simm.s32 @p2 $0x9E80  }
0x6b: {  	[spmem:s18] =	stream.linear.scatter @p2 [tilespmem:s10], [sflag:$0x3], $0x190, $0x38;
	[tilespmem:$0xAD80] =	vst v63  }
0x6c: {  	s10 =	simm.s32 @p2 $0x3  }
0x6d: {  	_ =	swait.ge @p2 [sflag:s10], $0x190  }
0x6e: {  	[sflag:s10] =	ssyncset.done @p2 $0x0  }
0x6f: {  	s11 =	simm.s32 @!p2 $0x9E80;
	[sflag:s10] =	ssyncadd.s32 @p2 $0xFFFFFE70;
	s10 =	sadd.s32 @!p2 s5, s2  }
0x70: {  	[spmem:s10] =	stream.linear.scatter @!p2 [tilespmem:s11], [sflag:$0x3], $0x280, $0x38;
	[tilespmem:$0xAD80] =	vst v63  }
0x71: {  	s10 =	simm.s32 @!p2 $0x3  }
0x72: {  	_ =	swait.ge @!p2 [sflag:s10], $0x280  }
0x73: {  	[sflag:s10] =	ssyncset.done @!p2 $0x0  }
0x74: {  	[sflag:s10] =	ssyncadd.s32 @!p2 $0xFFFFFD80  }
0x75: {  	[tilespmem:$0xA380] =	vst v0  }
0x76: {  	[tilespmem:$0xA390] =	vst v0  }
0x77: {  	[tilespmem:$0xA3A0] =	vst v0  }
0x78: {  	[tilespmem:$0xA3B0] =	vst v0  }
0x79: {  	[tilespmem:$0xA3C0] =	vst v0  }
0x7a: {  	[tilespmem:$0xA3D0] =	vst v0  }
0x7b: {  	[tilespmem:$0xA3E0] =	vst v0  }
0x7c: {  	[tilespmem:$0xA3F0] =	vst v0  }
0x7d: {  	[tilespmem:$0xA400] =	vst v0  }
0x7e: {  	[tilespmem:$0xA410] =	vst v0  }
0x7f: {  	[tilespmem:$0xA420] =	vst v0  }
0x80: {  	[tilespmem:$0xA430] =	vst v0  }
0x81: {  	[tilespmem:$0xA440] =	vst v0  }
0x82: {  	[tilespmem:$0xA450] =	vst v0  }
0x83: {  	[tilespmem:$0xA460] =	vst v0  }
0x84: {  	[tilespmem:$0xA470] =	vst v0  }
0x85: {  	[tilespmem:$0xA480] =	vst v0  }
0x86: {  	[tilespmem:$0xA490] =	vst v0  }
0x87: {  	[tilespmem:$0xA4A0] =	vst v0  }
0x88: {  	[tilespmem:$0xA4B0] =	vst v0  }
0x89: {  	[tilespmem:$0xA4C0] =	vst v0  }
0x8a: {  	[tilespmem:$0xA4D0] =	vst v0  }
0x8b: {  	[tilespmem:$0xA4E0] =	vst v0  }
0x8c: {  	[tilespmem:$0xA4F0] =	vst v0  }
0x8d: {  	[tilespmem:$0xA500] =	vst v0  }
0x8e: {  	[tilespmem:$0xA510] =	vst v0  }
0x8f: {  	[tilespmem:$0xA520] =	vst v0  }
0x90: {  	[tilespmem:$0xA530] =	vst v0  }
0x91: {  	[tilespmem:$0xA540] =	vst v0  }
0x92: {  	[tilespmem:$0xA550] =	vst v0  }
0x93: {  	[tilespmem:$0xA560] =	vst v0  }
0x94: {  	[tilespmem:$0xA570] =	vst v0  }
0x95: {  	[tilespmem:$0xA580] =	vst v0  }
0x96: {  	[tilespmem:$0xA590] =	vst v0  }
0x97: {  	[tilespmem:$0xA5A0] =	vst v0  }
0x98: {  	[tilespmem:$0xA5B0] =	vst v0  }
0x99: {  	[tilespmem:$0xA5C0] =	vst v0  }
0x9a: {  	[tilespmem:$0xA5D0] =	vst v0  }
0x9b: {  	[tilespmem:$0xA5E0] =	vst v0  }
0x9c: {  	s25 =	sadd.s32 s5, s3;
	[tilespmem:$0xA5F0] =	vst v0  }
0x9d: {  	[spmem:s25] =	stream.linear.scatter [tilespmem:s29], [sflag:$0x3], $0x280, $0x38;
	[tilespmem:$0xAD80] =	vst v63  }
0x9e: {  	_ =	swait.ge [sflag:s24], $0x280  }
0x9f: {  	[sflag:s24] =	ssyncset.done $0x0  }
0xa0: {  	[sflag:s24] =	ssyncadd.s32 $0xFFFFFD80  }
0xa1: {  	s22 =	simm.s32 $0x0;
	[bflag:$0x0] =	sbarrier.arrive $0xFFFF  }
0xa2: {  	[tilespmem:s22], [sflag:$0x3] =	stream.linear.gather [spmem:s2], $0x2710, $0x38;
	[tilespmem:$0xAD80] =	vst v63  }
0xa3: {  	_ =	swait.ge [sflag:s24], $0x2710  }
0xa4: {  	[sflag:s24] =	ssyncset.done $0x0  }
0xa5: {  	[sflag:s24] =	ssyncadd.s32 $0xFFFFD8F0  }
0xa6: {  	_ =	swait.ge [sflag:s30], $0x2700  }
0xa7: {  	[sflag:s30] =	ssyncset.done $0x0  }
0xa8: {  	[sflag:s30] =	ssyncadd.s32 $0xFFFFD900  }
0xa9: {  	_ =	swait.ge [sflag:s30], $0x2700  }
0xaa: {  	[sflag:s30] =	ssyncset.done $0x0  }
0xab: {  	s10 =	simm.s32 $0x0;
	[sflag:s30] =	ssyncadd.s32 $0xFFFFD900  }
0xac: {  	s11 =	simm.s32 $0x200;
	v1 =	vld [tilespmem:s10+$0x2800]  }
.LBB2_9:
0xad: {  	p3 =	sne.s32 s11, $0x9A00;
	_ =	sdelay $0x5  }
0xae: {  	v2 =	vld [tilespmem:s10+$0x2810]  }
0xaf: {  	v1 =	vld.idx.msk [tilespmem:v1+s4+$0x0], $0xffff;
	_ =	sdelay $0x5  }
0xb0: {  	[tilespmem:s10+$0x7700] =	vst v1;
	v1 =	vld [tilespmem:s10+$0x2820]  }
0xb1: {  	v2 =	vld.idx.msk [tilespmem:v2+s4+$0x0], $0xffff;
	_ =	sdelay $0x5  }
0xb2: {  	[tilespmem:s10+$0x7710] =	vst v2;
	v2 =	vld [tilespmem:s10+$0x2830]  }
0xb3: {  	v1 =	vld.idx.msk [tilespmem:v1+s4+$0x0], $0xffff;
	_ =	sdelay $0x5  }
0xb4: {  	[tilespmem:s10+$0x7720] =	vst v1;
	v1 =	vld [tilespmem:s10+$0x2840]  }
0xb5: {  	v2 =	vld.idx.msk [tilespmem:v2+s4+$0x0], $0xffff;
	_ =	sdelay $0x5  }
0xb6: {  	[tilespmem:s10+$0x7730] =	vst v2;
	v2 =	vld [tilespmem:s10+$0x2850]  }
0xb7: {  	v1 =	vld.idx.msk [tilespmem:v1+s4+$0x0], $0xffff;
	_ =	sdelay $0x5  }
0xb8: {  	[tilespmem:s10+$0x7740] =	vst v1;
	v1 =	vld [tilespmem:s10+$0x2860]  }
0xb9: {  	v2 =	vld.idx.msk [tilespmem:v2+s4+$0x0], $0xffff;
	_ =	sdelay $0x5  }
0xba: {  	[tilespmem:s10+$0x7750] =	vst v2;
	v2 =	vld [tilespmem:s10+$0x2870]  }
0xbb: {  	v1 =	vld.idx.msk [tilespmem:v1+s4+$0x0], $0xffff;
	_ =	sdelay $0x5  }
0xbc: {  	[tilespmem:s10+$0x7760] =	vst v1  }
0xbd: {  	v1 =	vld.idx.msk [tilespmem:v2+s4+$0x0], $0xffff;
	_ =	sdelay $0x2  }
.Ltmp5:
0xbe: {  	(pc) =	sbr.rel @p3 .LBB2_9-.Ltmp5, $4  }
0xbf: {  	_ = 	snop  }
0xc0: {  	s12 =	sshra.s32 s11, $0x2;
	s21 =	sadd.s32 $0x7700, s10;
	s22 =	sadd.s32 $0x4F80, s10  }
0xc1: {  	[tilespmem:s10+$0x7770] =	vst v1;
	[spmem:s3] =	stream.indirect.scatter.add.f32 [tilespmem:s21], [sflag:$0x1], $0x1, s22, s31, $0xb8  }
0xc2: {  	s11 =	sadd.s32 $0x200, s11;
	s10 =	smov.u32 s12;
	v1 =	vld [tilespmem:s12+$0x2800]  }
0xc3: {  	_ =	sdelay $0x5  }
0xc4: {  	v2 =	vld [tilespmem:s10+$0x2810];
	_ =	sdelay $0x1  }
0xc5: {  	v1 =	vld.idx.msk [tilespmem:v1+s4+$0x0], $0xffff;
	_ =	sdelay $0x4  }
0xc6: {  	[tilespmem:s10+$0x7700] =	vst v1;
	v1 =	vld [tilespmem:s10+$0x2820]  }
0xc7: {  	v2 =	vld.idx.msk [tilespmem:v2+s4+$0x0], $0xffff;
	_ =	sdelay $0x4  }
0xc8: {  	[tilespmem:s10+$0x7710] =	vst v2;
	v2 =	vld [tilespmem:s10+$0x2830];
	_ =	sdelay $0x1  }
0xc9: {  	v1 =	vld.idx.msk [tilespmem:v1+s4+$0x0], $0xffff;
	_ =	sdelay $0x4  }
0xca: {  	[tilespmem:s10+$0x7720] =	vst v1;
	v1 =	vld [tilespmem:s10+$0x2840]  }
0xcb: {  	v2 =	vld.idx.msk [tilespmem:v2+s4+$0x0], $0xffff;
	_ =	sdelay $0x4  }
0xcc: {  	[tilespmem:s10+$0x7730] =	vst v2;
	v2 =	vld [tilespmem:s10+$0x2850];
	_ =	sdelay $0x1  }
0xcd: {  	v1 =	vld.idx.msk [tilespmem:v1+s4+$0x0], $0xffff;
	_ =	sdelay $0x4  }
0xce: {  	[tilespmem:s10+$0x7740] =	vst v1;
	v1 =	vld [tilespmem:s10+$0x2860]  }
0xcf: {  	v2 =	vld.idx.msk [tilespmem:v2+s4+$0x0], $0xffff;
	_ =	sdelay $0x4  }
0xd0: {  	[tilespmem:s10+$0x7750] =	vst v2;
	v2 =	vld [tilespmem:s10+$0x2870];
	_ =	sdelay $0x1  }
0xd1: {  	v1 =	vld.idx.msk [tilespmem:v1+s4+$0x0], $0xffff;
	_ =	sdelay $0x4  }
0xd2: {  	[tilespmem:s10+$0x7760] =	vst v1  }
0xd3: {  	v1 =	vld.idx.msk [tilespmem:v2+s4+$0x0], $0xffff;
	_ =	sdelay $0x4  }
0xd4: {  	s11 =	sadd.s32 $0x7700, s10;
	s12 =	sadd.s32 $0x4F80, s10;
	[tilespmem:s10+$0x7770] =	vst v1  }
0xd5: {  	[spmem:s3] =	stream.indirect.scatter.add.f32 [tilespmem:s11], [sflag:$0x1], $0x1, s12, s31, $0xb8;
	[tilespmem:$0xAD80] =	vst v63  }
0xd6: {  	v1 =	vld @!p0 [tilespmem:$0x4F00];
	_ =	sdelay $0x5  }
0xd7: {  	v2 =	vld @!p0 [tilespmem:$0x4F10]  }
0xd8: {  	s10 =	simm.s32 @!p0 $0x0  }
0xd9: {  	v1 =	vld.idx.msk @!p0 [tilespmem:v1+s10+$0x0], $0xffff;
	_ =	sdelay $0x3  }
0xda: {  	v3 =	vld @!p0 [tilespmem:$0x4F20]  }
0xdb: {  	[tilespmem:$0x9E00] =	vst @!p0 v1  }
0xdc: {  	v1 =	vld.idx.msk @!p0 [tilespmem:v2+s10+$0x0], $0xffff;
	_ =	sdelay $0x3  }
0xdd: {  	v2 =	vld @!p0 [tilespmem:$0x4F30]  }
0xde: {  	[tilespmem:$0x9E10] =	vst @!p0 v1  }
0xdf: {  	v1 =	vld.idx.msk @!p0 [tilespmem:v3+s10+$0x0], $0xffff;
	_ =	sdelay $0x3  }
0xe0: {  	v3 =	vld @!p0 [tilespmem:$0x4F40]  }
0xe1: {  	[tilespmem:$0x9E20] =	vst @!p0 v1  }
0xe2: {  	v1 =	vld.idx.msk @!p0 [tilespmem:v2+s10+$0x0], $0xffff;
	_ =	sdelay $0x3  }
0xe3: {  	v2 =	vld @!p0 [tilespmem:$0x4F50]  }
0xe4: {  	[tilespmem:$0x9E30] =	vst @!p0 v1  }
0xe5: {  	v1 =	vld.idx.msk @!p0 [tilespmem:v3+s10+$0x0], $0xffff;
	_ =	sdelay $0x3  }
0xe6: {  	v3 =	vld @!p0 [tilespmem:$0x4F60]  }
0xe7: {  	[tilespmem:$0x9E40] =	vst @!p0 v1  }
0xe8: {  	v1 =	vld.idx.msk @!p0 [tilespmem:v2+s10+$0x0], $0xffff;
	_ =	sdelay $0x3  }
0xe9: {  	v2 =	vld @!p0 [tilespmem:$0x4F70]  }
0xea: {  	[tilespmem:$0x9E50] =	vst @!p0 v1  }
0xeb: {  	v1 =	vld.idx.msk @!p0 [tilespmem:v3+s10+$0x0], $0xffff;
	_ =	sdelay $0x4  }
0xec: {  	[tilespmem:$0x9E60] =	vst @!p0 v1  }
0xed: {  	v1 =	vld.idx.msk @!p0 [tilespmem:v2+s10+$0x0], $0xffff;
	_ =	sdelay $0x4  }
0xee: {  	s11 =	simm.s32 @!p0 $0x7680;
	s12 =	simm.s32 @!p0 $0x9E00;
	s10 =	simm.s32 @!p0 $0x80;
	[tilespmem:$0x9E70] =	vst @!p0 v1  }
0xef: {  	[spmem:s3] =	stream.indirect.scatter.add.f32 @!p0 [tilespmem:s12], [sflag:$0x1], $0x1, s11, s10, $0xb8;
	[tilespmem:$0xAD80] =	vst v63  }
0xf0: {  	_ =	swait.ge [sflag:s1], $0x80  }
0xf1: {  	s10 =	simm.s32 $0x4D;
	[sflag:s1] =	ssyncset.done $0x0  }
.LBB2_11:
0xf2: {  	p3 =	sne.s32 s10, $0x1;
	s10 =	sadd.s32 $0xFFFFFFFF, s10;
	[sflag:s1] =	ssyncadd.s32 $0xFFFFFF80  }
.Ltmp6:
0xf3: {  	(pc) =	sbr.rel @p3 .LBB2_11-.Ltmp6, $3  }
0xf4: {  	_ =	sdelay $0x1  }
0xf5: {  	_ =	swait.ge [sflag:s1], $0x80  }
0xf6: {  	[sflag:s1] =	ssyncset.done $0x0  }
0xf7: {  	[sflag:s1] =	ssyncadd.s32 $0xFFFFFF80;
	s10 =	simm.s32 @!p0 $0x1  }
0xf8: {  	_ =	swait.ge @!p0 [sflag:s10], $0x80  }
0xf9: {  	[sflag:s10] =	ssyncset.done @!p0 $0x0  }
0xfa: {  	[sflag:s10] =	ssyncadd.s32 @!p0 $0xFFFFFF80  }
0xfb: {  	s10 =	simm.s32 @p2 $0xA100;
	[bflag:$0x0] =	sbarrier.arrive $0xFFFF  }
0xfc: {  	[tilespmem:s10], [sflag:$0x3] =	stream.linear.gather @p2 [spmem:s25], $0x190, $0x38;
	[tilespmem:$0xAD80] =	vst v63  }
0xfd: {  	s10 =	simm.s32 @p2 $0x3  }
0xfe: {  	_ =	swait.ge @p2 [sflag:s10], $0x190  }
0xff: {  	[sflag:s10] =	ssyncset.done @p2 $0x0  }
0x100: {  	[sflag:s10] =	ssyncadd.s32 @p2 $0xFFFFFE70;
	s10 =	simm.s32 @!p2 $0xA100  }
0x101: {  	[tilespmem:s10], [sflag:$0x3] =	stream.linear.gather @!p2 [spmem:s25], $0x280, $0x38;
	[tilespmem:$0xAD80] =	vst v63  }
0x102: {  	s10 =	simm.s32 @!p2 $0x3  }
0x103: {  	_ =	swait.ge @!p2 [sflag:s10], $0x280  }
0x104: {  	[sflag:s10] =	ssyncset.done @!p2 $0x0  }
0x105: {  	[sflag:s10] =	ssyncadd.s32 @!p2 $0xFFFFFD80;
	s10 =	simm.s32 $0x0  }
0x106: {  	v1 =	vld [tilespmem:s10+$0x9E80];
	_ =	sdelay $0x1  }
0x107: {  	v2 =	vld [tilespmem:s10+$0xA100];
	_ =	sdelay $0x1  }
0x108: {  	v3 =	vld [tilespmem:s10+$0xA600]  }
0x109: {  	v1 =	vmul.f32 $5.000000000e-01, v1;
	_ =	sdelay $0x1  }
0x10a: {  	v1 =	vadd.f32 v2, v1;
	_ =	sdelay $0x1  }
0x10b: {  	s11 =	simm.s32 $0x80;
	s25 =	simm.s32 $0x10;
	v1 =	vmul.f32 v1, v3  }
.LBB2_13:
0x10c: {  	p3 =	sne.s32 s11, $0x9C0;
	v2 =	vld [tilespmem:s25+$0x9E80]  }
0x10d: {  	[tilespmem:s10+$0xA100] =	vst v1;
	s10 =	smov.u32 s25  }
0x10e: {  	v1 =	vld [tilespmem:s10+$0xA100];
	_ =	sdelay $0x1  }
0x10f: {  	v3 =	vld [tilespmem:s10+$0xA600]  }
.Ltmp7:
0x110: {  	v2 =	vmul.f32 $5.000000000e-01, v2;
	(pc) =	sbr.rel @p3 .LBB2_13-.Ltmp7, $3  }
0x111: {  	_ = 	snop  }
0x112: {  	v1 =	vadd.f32 v1, v2;
	_ =	sdelay $0x1  }
0x113: {  	s25 =	sshra.s32 s11, $0x2;
	s11 =	sadd.s32 $0x40, s11;
	v1 =	vmul.f32 v1, v3  }
0x114: {  	v2 =	vld [tilespmem:s25+$0x9E80]  }
0x115: {  	[tilespmem:s10+$0xA100] =	vst v1  }
0x116: {  	v1 =	vld [tilespmem:s25+$0xA100];
	_ =	sdelay $0x1  }
0x117: {  	v3 =	vld [tilespmem:s25+$0xA600]  }
0x118: {  	v2 =	vmul.f32 $5.000000000e-01, v2;
	_ =	sdelay $0x1  }
0x119: {  	v1 =	vadd.f32 v1, v2;
	_ =	sdelay $0x1  }
0x11a: {  	v1 =	vmul.f32 v1, v3;
	_ =	sdelay $0x1  }
0x11b: {  	s11 =	simm.s32 @p2 $0xA100;
	s10 =	simm.s32 @p2 $0x0;
	[tilespmem:s25+$0xA100] =	vst v1  }
0x11c: {  	[hbm4b:s19+s10] =	stream.linear.scatter @p2 [tilespmem:s11], [sflag:$0x3], $0x190, $0x38;
	[tilespmem:$0xAD80] =	vst v63  }
0x11d: {  	s5 =	sadd.s32 @!p2 s9, s5;
	s10 =	simm.s32 @p2 $0x3  }
0x11e: {  	s0 =	sadd.s32 $0x1, s0;
	s5 =	sshrl.u32 @!p2 s5, $0x3;
	_ =	swait.ge @p2 [sflag:s10], $0x190  }
0x11f: {  	p3 =	sne.s32 s0, s20;
	s5 =	sadd.s32 @!p2 s6, s5;
	[sflag:s10] =	ssyncset.done @p2 $0x0  }
0x120: {  	s11 =	simm.s32 @!p2 $0xA100;
	[sflag:s10] =	ssyncadd.s32 @p2 $0xFFFFFE70;
	s10 =	simm.s32 @!p2 $0x0  }
0x121: {  	[hbm4b:s5+s10] =	stream.linear.scatter @!p2 [tilespmem:s11], [sflag:$0x3], $0x280, $0x38;
	[tilespmem:$0xAD80] =	vst v63  }
.Ltmp8:
0x122: {  	_ = 	snop;
	(pc) =	sbr.rel @p3 .LBB2_1-.Ltmp8, $4  }
0x123: {  	s5 =	simm.s32 @!p2 $0x3  }
0x124: {  	_ =	swait.ge @!p2 [sflag:s5], $0x280  }
0x125: {  	[sflag:s5] =	ssyncset.done @!p2 $0x0  }
0x126: {  	[sflag:s5] =	ssyncadd.s32 @!p2 $0xFFFFFD80  }
0x127: {  	_ =	sfence.sel $0x180000  }
0x128: {  	[bflag:$0x0] =	sbarrier.arrive $0xFFFF  }
0x129: {  	_ =	strace $0x9000004A  }
0x12a: {  	s0 =	stileid.u32;
	[bflag:$0x2] =	sbarrier.arrive $0xFFFF  }
0x12b: {  	p0 =	sne.s32 s0, $0x0;
	s0 =	rddreg [dreg:$0x4]  }
0x12c: {  	s0 =	sadd.s32 @!p0 $0x100000, s0  }
0x12d: {  	[sflag:s0] =	ssyncadd.tile.s32 @!p0 $0x1;
	_ =	shalt  }
.Lfunc_end2:
_tile_overlayer_lowered:
.L_overlay_start_2:
0x12e: {  	(tag) =	ssettag $0x2  }
0x12f: {  	s0 =	rddreg [dreg:$0x0];
	s2 =	stileid.u32  }
0x130: {  	s1 =	rddreg [dreg:$0x1];
	p0 =	sne.s32 s2, $0x0  }
0x131: {  	s3 =	rddreg [dreg:$0x2];
	[bflag:$0x3] =	sbarrier.arrive $0xFFFF;
	s2 =	simm.s32 @!p0 $0x1C03  }
0x132: {  	[timem:s3], [sflag:s2] =	dma.local @!p0 [hbm:s0], s1  }
0x133: {  	s0 =	simm.s32 @!p0 $0x3  }
0x134: {  	_ =	swait.ge @!p0 [sflag:s0], s1  }
0x135: {  	s1 =	ssub.s32 @!p0 $0x0, s1;
	[sflag:s0] =	ssyncset.done @!p0 $0x0  }
0x136: {  	[sflag:s0] =	ssyncadd.s32 @!p0 s1  }
0x137: {  	[bflag:$0x3] =	sbarrier.arrive $0xFFFF  }
0x138: {  	_ =	shalt  }

</sc_bundles>
